<compile_context>
chip_gen: v7x
topology: tpu7x:2x2x1
jax: 0.10.2.dev20260603
libtpu: 0.0.44.dev20260713+nightly
codegen_flags: <defaults>
</compile_context>

<pallas_src>
import functools

import jax
import jax.numpy as jnp
from jax import lax
from jax.experimental import pallas as pl
from jax.experimental.pallas import tpu as pltpu
from jax.experimental.pallas import tpu_sc as plsc

_NUM_CLASSES = 1000
_BATCH = 16384
_NC = 2
_NS = 16
_NW = _NC * _NS
_L = 16
_COLS_PER_W = _BATCH // _NW
_CHUNK = 128
_NCHUNK = _COLS_PER_W // _CHUNK
_SPLIT = 504


@functools.partial(
    pl.kernel,
    out_type=jax.ShapeDtypeStruct((_NUM_CLASSES, _BATCH), jnp.float32),
    mesh=plsc.VectorSubcoreMesh(core_axis_name="c", subcore_axis_name="s"),
    scratch_types=[
        pltpu.VMEM((_NUM_CLASSES, _CHUNK), jnp.float32),
        pltpu.VMEM((_COLS_PER_W,), jnp.int32),
        pltpu.SemaphoreType.DMA,
        pltpu.SemaphoreType.DMA,
        pltpu.SemaphoreType.DMA,
    ],
    compiler_params=pltpu.CompilerParams(
        use_tc_tiling_on_sc=True,
        needs_layout_passes=False,
    ),
)
def _onehot_sc(x_hbm, out_hbm, buf, idx_v, sem_a, sem_b, sem_c):
    wid = lax.axis_index("s") * _NC + lax.axis_index("c")
    base_col = wid * _COLS_PER_W

    pltpu.sync_copy(x_hbm.at[pl.ds(base_col, _COLS_PER_W)], idx_v)

    zvec = jnp.zeros((_L,), jnp.float32)
    onevec = jnp.ones((_L,), jnp.float32)
    lane_iota = lax.iota(jnp.int32, _L)

    def _zero_rows(lo, hi):
        def _zero_body(r, c):
            for k in range(4):
                for j in range(_CHUNK // _L):
                    buf[r * 4 + k, pl.ds(j * _L, _L)] = zvec
            return c

        lax.fori_loop(lo // 4, hi // 4, _zero_body, 0)

    def _positions(c):
        out = []
        for j in range(_CHUNK // _L):
            rows = idx_v[pl.ds(c * _CHUNK + j * _L, _L)]
            cols = j * _L + lane_iota
            out.append((rows, cols))
        return out

    def _dma(c, lo, hi, sem):
        return pltpu.make_async_copy(
            buf.at[pl.ds(lo, hi - lo)],
            out_hbm.at[pl.ds(lo, hi - lo), pl.ds(base_col + c * _CHUNK, _CHUNK)],
            sem,
        )

    _p0 = 248
    pieces = [(0, _p0, sem_a), (_p0, _SPLIT, sem_b), (_SPLIT, _NUM_CLASSES, sem_c)]
    for lo, hi, sem in pieces:
        _zero_rows(lo, hi)
        for rows, cols in _positions(0):
            plsc.store_scatter(
                buf, [rows, cols], onevec, mask=(rows >= lo) & (rows < hi)
            )
        _dma(0, lo, hi, sem).start()

    quarters = [(0, 248, sem_a), (248, 504, sem_b), (504, 752, sem_c),
                (752, _NUM_CLASSES, sem_a)]

    for c in range(_NCHUNK):
        if c == 0:
            for lo, hi, sem in pieces:
                _dma(0, lo, hi, sem).wait()
        else:
            for lo, hi, sem in quarters:
                _dma(c, lo, hi, sem).wait()
        if c + 1 == _NCHUNK:
            break
        for rows, cols in _positions(c):
            plsc.store_scatter(buf, [rows, cols], zvec)
        for rows, cols in _positions(c + 1):
            plsc.store_scatter(buf, [rows, cols], onevec)
        for lo, hi, sem in quarters:
            _dma(c + 1, lo, hi, sem).start()


def kernel(x):
    xi = x.astype(jnp.int32)
    return _onehot_sc(xi).T

# --- scband reference (transcript-rebuilt; emitter-appended) ---
"""Pipeline reference for scband-one-hot-23957327577362 (READ-ONLY COPY).

The authoritative reference and input builder live on the scoring server;
editing this copy changes nothing except your own understanding.
"""

import jax, jax.numpy as jnp
import numpy as np

NUM_CLASSES = 1000
BATCH = 16384

def setup_inputs(seed: int = 0) -> dict:
    key = jax.random.key(seed)
    x = jax.random.randint(key, (BATCH,), 0, NUM_CLASSES, dtype=jnp.int64)
    return {"x": x}

def reference(x) -> jnp.ndarray:
    # Faithful translation of OneHot.forward:
    #   x -> int64 -> one_hot(num_classes) -> float32
    xi = x.astype(jnp.int64)
    out = jax.nn.one_hot(xi, NUM_CLASSES, dtype=jnp.float32)
    return out

if __name__ == "__main__":
    import jax
    _d = setup_inputs()
    print(jax.jit(kernel)(*tuple(_d.values())))

</pallas_src>

<mosaic_0001>
#map = affine_map<(d0, d1) -> (0)>
#map1 = affine_map<(d0, d1) -> (0, 0)>
module attributes {stable_mosaic.version = 14 : i64} {
  func.func @_onehot_sc(%arg0: i32, %arg1: i32, %arg2: memref<16384xi32, #tpu.memory_space<hbm>>, %arg3: memref<1000x16384xf32, #tpu.memory_space<hbm>>, %arg4: memref<1000x128xf32, #tpu.memory_space<vmem>>, %arg5: memref<512xi32, #tpu.memory_space<vmem>>, %arg6: memref<!tpu.dma_semaphore, #tpu.memory_space<semaphore_mem>>, %arg7: memref<!tpu.dma_semaphore, #tpu.memory_space<semaphore_mem>>, %arg8: memref<!tpu.dma_semaphore, #tpu.memory_space<semaphore_mem>>) attributes {dimension_semantics = [#tpu.dimension_semantics<core_parallel>, #tpu.dimension_semantics<subcore_parallel>], iteration_bounds = array<i64: 2, 16>, scalar_prefetch = 0 : i64, scratch_operands = 5 : i64, tpu.core_type = #tpu.core_type<sc_vector_subcore>, window_params = [{transform_indices = #map}, {transform_indices = #map1}]} {
    %mul3A = arith.constant 2 : i32
    %mul3A_0 = arith.muli %arg1, %mul3A : i32
    %add3A = arith.addi %mul3A_0, %arg0 : i32
    %mul3A_1 = arith.constant 512 : i32
    %mul3A_2 = arith.muli %add3A, %mul3A_1 : i32
    "tpu.region"() ({
      %run_scoped3A = tpu.sem_alloc : memref<!tpu.dma_semaphore, #tpu.memory_space<semaphore_mem>>
      %dma_start3A_905 = tpu.memref_slice %arg2[%mul3A_2] : memref<16384xi32, #tpu.memory_space<hbm>> -> memref<512xi32, #tpu.memory_space<hbm>>
      %dma_start3A_906 = tpu.memref_slice %arg2[%mul3A_2] : memref<16384xi32, #tpu.memory_space<hbm>> -> memref<512xi32, #tpu.memory_space<hbm>>
      tpu.enqueue_dma source(%dma_start3A_906 : memref<512xi32, #tpu.memory_space<hbm>>) target(%arg5 : memref<512xi32, #tpu.memory_space<vmem>>) target_semaphore(%run_scoped3A : memref<!tpu.dma_semaphore, #tpu.memory_space<semaphore_mem>>)
      %dma_wait3A_907 = tpu.memref_slice %arg2[%mul3A_2] : memref<16384xi32, #tpu.memory_space<hbm>> -> memref<512xi32, #tpu.memory_space<hbm>>
      %dma_wait3A_908 = tpu.memref_slice %arg2[%mul3A_2] : memref<16384xi32, #tpu.memory_space<hbm>> -> memref<512xi32, #tpu.memory_space<hbm>>
      tpu.wait_dma2 semaphore(%run_scoped3A : memref<!tpu.dma_semaphore, #tpu.memory_space<semaphore_mem>>) src(%dma_wait3A_908 : memref<512xi32, #tpu.memory_space<hbm>>) dst(%arg5 : memref<512xi32, #tpu.memory_space<vmem>>)
      tpu.yield
    }) : () -> ()
    %broadcast_in_dim3A = arith.constant 0.000000e+00 : f32
    %broadcast_in_dim3A_3 = vector.broadcast %broadcast_in_dim3A : f32 to vector<16xf32>
    %broadcast_in_dim3A_4 = arith.constant 1.000000e+00 : f32
    %broadcast_in_dim3A_5 = vector.broadcast %broadcast_in_dim3A_4 : f32 to vector<16xf32>
    %iota3A = tpu.iota {dimensions = array<i32: 0>} : vector<16xi32>
    %scan3A = arith.constant 0 : i32
    %scan3A_6 = arith.constant 0 : i32
    %scan3A_7 = arith.constant 62 : i32
    %scan3A_8 = arith.addi %scan3A_6, %scan3A_7 : i32
    %scan3A_9 = arith.constant 1 : i32
    scf.for %scan3A_905 = %scan3A_6 to %scan3A_8 step %scan3A_9  : i32 {
      %mul3A_906 = arith.constant 4 : i32
      %mul3A_907 = arith.muli %scan3A_905, %mul3A_906 : i32
      %add3A_908 = arith.constant 0 : i32
      %add3A_909 = arith.addi %mul3A_907, %add3A_908 : i32
      %swap3A = arith.index_cast %add3A_909 : i32 to index
      %swap3A_910 = arith.constant 0 : index
      %swap3A_911 = tpu.vector_load %arg4[%swap3A, %swap3A_910] {strides = array<i32>} : memref<1000x128xf32, #tpu.memory_space<vmem>>, vector<16xf32>,
      tpu.vector_store %arg4[%swap3A, %swap3A_910], %broadcast_in_dim3A_3 {strides = array<i32>} : memref<1000x128xf32, #tpu.memory_space<vmem>>, vector<16xf32>,
      %mul3A_912 = arith.constant 4 : i32
      %mul3A_913 = arith.muli %scan3A_905, %mul3A_912 : i32
      %add3A_914 = arith.constant 0 : i32
      %add3A_915 = arith.addi %mul3A_913, %add3A_914 : i32
      %swap3A_916 = arith.index_cast %add3A_915 : i32 to index
      %swap3A_917 = arith.constant 16 : index
      %swap3A_918 = tpu.vector_load %arg4[%swap3A_916, %swap3A_917] {strides = array<i32>} : memref<1000x128xf32, #tpu.memory_space<vmem>>, vector<16xf32>,
      tpu.vector_store %arg4[%swap3A_916, %swap3A_917], %broadcast_in_dim3A_3 {strides = array<i32>} : memref<1000x128xf32, #tpu.memory_space<vmem>>, vector<16xf32>,
      %mul3A_919 = arith.constant 4 : i32
      %mul3A_920 = arith.muli %scan3A_905, %mul3A_919 : i32
      %add3A_921 = arith.constant 0 : i32
      %add3A_922 = arith.addi %mul3A_920, %add3A_921 : i32
      %swap3A_923 = arith.index_cast %add3A_922 : i32 to index
      %swap3A_924 = arith.constant 32 : index
      %swap3A_925 = tpu.vector_load %arg4[%swap3A_923, %swap3A_924] {strides = array<i32>} : memref<1000x128xf32, #tpu.memory_space<vmem>>, vector<16xf32>,
      tpu.vector_store %arg4[%swap3A_923, %swap3A_924], %broadcast_in_dim3A_3 {strides = array<i32>} : memref<1000x128xf32, #tpu.memory_space<vmem>>, vector<16xf32>,
      %mul3A_926 = arith.constant 4 : i32
      %mul3A_927 = arith.muli %scan3A_905, %mul3A_926 : i32
      %add3A_928 = arith.constant 0 : i32
      %add3A_929 = arith.addi %mul3A_927, %add3A_928 : i32
      %swap3A_930 = arith.index_cast %add3A_929 : i32 to index
      %swap3A_931 = arith.constant 48 : index
      %swap3A_932 = tpu.vector_load %arg4[%swap3A_930, %swap3A_931] {strides = array<i32>} : memref<1000x128xf32, #tpu.memory_space<vmem>>, vector<16xf32>,
      tpu.vector_store %arg4[%swap3A_930, %swap3A_931], %broadcast_in_dim3A_3 {strides = array<i32>} : memref<1000x128xf32, #tpu.memory_space<vmem>>, vector<16xf32>,
      %mul3A_933 = arith.constant 4 : i32
      %mul3A_934 = arith.muli %scan3A_905, %mul3A_933 : i32
      %add3A_935 = arith.constant 0 : i32
      %add3A_936 = arith.addi %mul3A_934, %add3A_935 : i32
      %swap3A_937 = arith.index_cast %add3A_936 : i32 to index
      %swap3A_938 = arith.constant 64 : index
      %swap3A_939 = tpu.vector_load %arg4[%swap3A_937, %swap3A_938] {strides = array<i32>} : memref<1000x128xf32, #tpu.memory_space<vmem>>, vector<16xf32>,
      tpu.vector_store %arg4[%swap3A_937, %swap3A_938], %broadcast_in_dim3A_3 {strides = array<i32>} : memref<1000x128xf32, #tpu.memory_space<vmem>>, vector<16xf32>,
      %mul3A_940 = arith.constant 4 : i32
      %mul3A_941 = arith.muli %scan3A_905, %mul3A_940 : i32
      %add3A_942 = arith.constant 0 : i32
      %add3A_943 = arith.addi %mul3A_941, %add3A_942 : i32
      %swap3A_944 = arith.index_cast %add3A_943 : i32 to index
      %swap3A_945 = arith.constant 80 : index
      %swap3A_946 = tpu.vector_load %arg4[%swap3A_944, %swap3A_945] {strides = array<i32>} : memref<1000x128xf32, #tpu.memory_space<vmem>>, vector<16xf32>,
      tpu.vector_store %arg4[%swap3A_944, %swap3A_945], %broadcast_in_dim3A_3 {strides = array<i32>} : memref<1000x128xf32, #tpu.memory_space<vmem>>, vector<16xf32>,
      %mul3A_947 = arith.constant 4 : i32
      %mul3A_948 = arith.muli %scan3A_905, %mul3A_947 : i32
      %add3A_949 = arith.constant 0 : i32
      %add3A_950 = arith.addi %mul3A_948, %add3A_949 : i32
      %swap3A_951 = arith.index_cast %add3A_950 : i32 to index
      %swap3A_952 = arith.constant 96 : index
      %swap3A_953 = tpu.vector_load %arg4[%swap3A_951, %swap3A_952] {strides = array<i32>} : memref<1000x128xf32, #tpu.memory_space<vmem>>, vector<16xf32>,
      tpu.vector_store %arg4[%swap3A_951, %swap3A_952], %broadcast_in_dim3A_3 {strides = array<i32>} : memref<1000x128xf32, #tpu.memory_space<vmem>>, vector<16xf32>,
      %mul3A_954 = arith.constant 4 : i32
      %mul3A_955 = arith.muli %scan3A_905, %mul3A_954 : i32
      %add3A_956 = arith.constant 0 : i32
      %add3A_957 = arith.addi %mul3A_955, %add3A_956 : i32
      %swap3A_958 = arith.index_cast %add3A_957 : i32 to index
      %swap3A_959 = arith.constant 112 : index
      %swap3A_960 = tpu.vector_load %arg4[%swap3A_958, %swap3A_959] {strides = array<i32>} : memref<1000x128xf32, #tpu.memory_space<vmem>>, vector<16xf32>,
      tpu.vector_store %arg4[%swap3A_958, %swap3A_959], %broadcast_in_dim3A_3 {strides = array<i32>} : memref<1000x128xf32, #tpu.memory_space<vmem>>, vector<16xf32>,
      %mul3A_961 = arith.constant 4 : i32
      %mul3A_962 = arith.muli %scan3A_905, %mul3A_961 : i32
      %add3A_963 = arith.constant 1 : i32
      %add3A_964 = arith.addi %mul3A_962, %add3A_963 : i32
      %swap3A_965 = arith.index_cast %add3A_964 : i32 to index
      %swap3A_966 = arith.constant 0 : index
      %swap3A_967 = tpu.vector_load %arg4[%swap3A_965, %swap3A_966] {strides = array<i32>} : memref<1000x128xf32, #tpu.memory_space<vmem>>, vector<16xf32>,
      tpu.vector_store %arg4[%swap3A_965, %swap3A_966], %broadcast_in_dim3A_3 {strides = array<i32>} : memref<1000x128xf32, #tpu.memory_space<vmem>>, vector<16xf32>,
      %mul3A_968 = arith.constant 4 : i32
      %mul3A_969 = arith.muli %scan3A_905, %mul3A_968 : i32
      %add3A_970 = arith.constant 1 : i32
      %add3A_971 = arith.addi %mul3A_969, %add3A_970 : i32
      %swap3A_972 = arith.index_cast %add3A_971 : i32 to index
      %swap3A_973 = arith.constant 16 : index
      %swap3A_974 = tpu.vector_load %arg4[%swap3A_972, %swap3A_973] {strides = array<i32>} : memref<1000x128xf32, #tpu.memory_space<vmem>>, vector<16xf32>,
      tpu.vector_store %arg4[%swap3A_972, %swap3A_973], %broadcast_in_dim3A_3 {strides = array<i32>} : memref<1000x128xf32, #tpu.memory_space<vmem>>, vector<16xf32>,
      %mul3A_975 = arith.constant 4 : i32
      %mul3A_976 = arith.muli %scan3A_905, %mul3A_975 : i32
      %add3A_977 = arith.constant 1 : i32
      %add3A_978 = arith.addi %mul3A_976, %add3A_977 : i32
      %swap3A_979 = arith.index_cast %add3A_978 : i32 to index
      %swap3A_980 = arith.constant 32 : index
      %swap3A_981 = tpu.vector_load %arg4[%swap3A_979, %swap3A_980] {strides = array<i32>} : memref<1000x128xf32, #tpu.memory_space<vmem>>, vector<16xf32>,
      tpu.vector_store %arg4[%swap3A_979, %swap3A_980], %broadcast_in_dim3A_3 {strides = array<i32>} : memref<1000x128xf32, #tpu.memory_space<vmem>>, vector<16xf32>,
      %mul3A_982 = arith.constant 4 : i32
      %mul3A_983 = arith.muli %scan3A_905, %mul3A_982 : i32
      %add3A_984 = arith.constant 1 : i32
      %add3A_985 = arith.addi %mul3A_983, %add3A_984 : i32
      %swap3A_986 = arith.index_cast %add3A_985 : i32 to index
      %swap3A_987 = arith.constant 48 : index
      %swap3A_988 = tpu.vector_load %arg4[%swap3A_986, %swap3A_987] {strides = array<i32>} : memref<1000x128xf32, #tpu.memory_space<vmem>>, vector<16xf32>,
      tpu.vector_store %arg4[%swap3A_986, %swap3A_987], %broadcast_in_dim3A_3 {strides = array<i32>} : memref<1000x128xf32, #tpu.memory_space<vmem>>, vector<16xf32>,
      %mul3A_989 = arith.constant 4 : i32
      %mul3A_990 = arith.muli %scan3A_905, %mul3A_989 : i32
      %add3A_991 = arith.constant 1 : i32
      %add3A_992 = arith.addi %mul3A_990, %add3A_991 : i32
      %swap3A_993 = arith.index_cast %add3A_992 : i32 to index
      %swap3A_994 = arith.constant 64 : index
      %swap3A_995 = tpu.vector_load %arg4[%swap3A_993, %swap3A_994] {strides = array<i32>} : memref<1000x128xf32, #tpu.memory_space<vmem>>, vector<16xf32>,
      tpu.vector_store %arg4[%swap3A_993, %swap3A_994], %broadcast_in_dim3A_3 {strides = array<i32>} : memref<1000x128xf32, #tpu.memory_space<vmem>>, vector<16xf32>,
      %mul3A_996 = arith.constant 4 : i32
      %mul3A_997 = arith.muli %scan3A_905, %mul3A_996 : i32
      %add3A_998 = arith.constant 1 : i32
      %add3A_999 = arith.addi %mul3A_997, %add3A_998 : i32
      %swap3A_1000 = arith.index_cast %add3A_999 : i32 to index
      %swap3A_1001 = arith.constant 80 : index
      %swap3A_1002 = tpu.vector_load %arg4[%swap3A_1000, %swap3A_1001] {strides = array<i32>} : memref<1000x128xf32, #tpu.memory_space<vmem>>, vector<16xf32>,
      tpu.vector_store %arg4[%swap3A_1000, %swap3A_1001], %broadcast_in_dim3A_3 {strides = array<i32>} : memref<1000x128xf32, #tpu.memory_space<vmem>>, vector<16xf32>,
      %mul3A_1003 = arith.constant 4 : i32
      %mul3A_1004 = arith.muli %scan3A_905, %mul3A_1003 : i32
      %add3A_1005 = arith.constant 1 : i32
      %add3A_1006 = arith.addi %mul3A_1004, %add3A_1005 : i32
      %swap3A_1007 = arith.index_cast %add3A_1006 : i32 to index
      %swap3A_1008 = arith.constant 96 : index
      %swap3A_1009 = tpu.vector_load %arg4[%swap3A_1007, %swap3A_1008] {strides = array<i32>} : memref<1000x128xf32, #tpu.memory_space<vmem>>, vector<16xf32>,
      tpu.vector_store %arg4[%swap3A_1007, %swap3A_1008], %broadcast_in_dim3A_3 {strides = array<i32>} : memref<1000x128xf32, #tpu.memory_space<vmem>>, vector<16xf32>,
      %mul3A_1010 = arith.constant 4 : i32
      %mul3A_1011 = arith.muli %scan3A_905, %mul3A_1010 : i32
      %add3A_1012 = arith.constant 1 : i32
      %add3A_1013 = arith.addi %mul3A_1011, %add3A_1012 : i32
      %swap3A_1014 = arith.index_cast %add3A_1013 : i32 to index
      %swap3A_1015 = arith.constant 112 : index
      %swap3A_1016 = tpu.vector_load %arg4[%swap3A_1014, %swap3A_1015] {strides = array<i32>} : memref<1000x128xf32, #tpu.memory_space<vmem>>, vector<16xf32>,
      tpu.vector_store %arg4[%swap3A_1014, %swap3A_1015], %broadcast_in_dim3A_3 {strides = array<i32>} : memref<1000x128xf32, #tpu.memory_space<vmem>>, vector<16xf32>,
      %mul3A_1017 = arith.constant 4 : i32
      %mul3A_1018 = arith.muli %scan3A_905, %mul3A_1017 : i32
      %add3A_1019 = arith.constant 2 : i32
      %add3A_1020 = arith.addi %mul3A_1018, %add3A_1019 : i32
      %swap3A_1021 = arith.index_cast %add3A_1020 : i32 to index
      %swap3A_1022 = arith.constant 0 : index
      %swap3A_1023 = tpu.vector_load %arg4[%swap3A_1021, %swap3A_1022] {strides = array<i32>} : memref<1000x128xf32, #tpu.memory_space<vmem>>, vector<16xf32>,
      tpu.vector_store %arg4[%swap3A_1021, %swap3A_1022], %broadcast_in_dim3A_3 {strides = array<i32>} : memref<1000x128xf32, #tpu.memory_space<vmem>>, vector<16xf32>,
      %mul3A_1024 = arith.constant 4 : i32
      %mul3A_1025 = arith.muli %scan3A_905, %mul3A_1024 : i32
      %add3A_1026 = arith.constant 2 : i32
      %add3A_1027 = arith.addi %mul3A_1025, %add3A_1026 : i32
      %swap3A_1028 = arith.index_cast %add3A_1027 : i32 to index
      %swap3A_1029 = arith.constant 16 : index
      %swap3A_1030 = tpu.vector_load %arg4[%swap3A_1028, %swap3A_1029] {strides = array<i32>} : memref<1000x128xf32, #tpu.memory_space<vmem>>, vector<16xf32>,
      tpu.vector_store %arg4[%swap3A_1028, %swap3A_1029], %broadcast_in_dim3A_3 {strides = array<i32>} : memref<1000x128xf32, #tpu.memory_space<vmem>>, vector<16xf32>,
      %mul3A_1031 = arith.constant 4 : i32
      %mul3A_1032 = arith.muli %scan3A_905, %mul3A_1031 : i32
      %add3A_1033 = arith.constant 2 : i32
      %add3A_1034 = arith.addi %mul3A_1032, %add3A_1033 : i32
      %swap3A_1035 = arith.index_cast %add3A_1034 : i32 to index
      %swap3A_1036 = arith.constant 32 : index
      %swap3A_1037 = tpu.vector_load %arg4[%swap3A_1035, %swap3A_1036] {strides = array<i32>} : memref<1000x128xf32, #tpu.memory_space<vmem>>, vector<16xf32>,
      tpu.vector_store %arg4[%swap3A_1035, %swap3A_1036], %broadcast_in_dim3A_3 {strides = array<i32>} : memref<1000x128xf32, #tpu.memory_space<vmem>>, vector<16xf32>,
      %mul3A_1038 = arith.constant 4 : i32
      %mul3A_1039 = arith.muli %scan3A_905, %mul3A_1038 : i32
      %add3A_1040 = arith.constant 2 : i32
      %add3A_1041 = arith.addi %mul3A_1039, %add3A_1040 : i32
      %swap3A_1042 = arith.index_cast %add3A_1041 : i32 to index
      %swap3A_1043 = arith.constant 48 : index
      %swap3A_1044 = tpu.vector_load %arg4[%swap3A_1042, %swap3A_1043] {strides = array<i32>} : memref<1000x128xf32, #tpu.memory_space<vmem>>, vector<16xf32>,
      tpu.vector_store %arg4[%swap3A_1042, %swap3A_1043], %broadcast_in_dim3A_3 {strides = array<i32>} : memref<1000x128xf32, #tpu.memory_space<vmem>>, vector<16xf32>,
      %mul3A_1045 = arith.constant 4 : i32
      %mul3A_1046 = arith.muli %scan3A_905, %mul3A_1045 : i32
      %add3A_1047 = arith.constant 2 : i32
      %add3A_1048 = arith.addi %mul3A_1046, %add3A_1047 : i32
      %swap3A_1049 = arith.index_cast %add3A_1048 : i32 to index
      %swap3A_1050 = arith.constant 64 : index
      %swap3A_1051 = tpu.vector_load %arg4[%swap3A_1049, %swap3A_1050] {strides = array<i32>} : memref<1000x128xf32, #tpu.memory_space<vmem>>, vector<16xf32>,
      tpu.vector_store %arg4[%swap3A_1049, %swap3A_1050], %broadcast_in_dim3A_3 {strides = array<i32>} : memref<1000x128xf32, #tpu.memory_space<vmem>>, vector<16xf32>,
      %mul3A_1052 = arith.constant 4 : i32
      %mul3A_1053 = arith.muli %scan3A_905, %mul3A_1052 : i32
      %add3A_1054 = arith.constant 2 : i32
      %add3A_1055 = arith.addi %mul3A_1053, %add3A_1054 : i32
      %swap3A_1056 = arith.index_cast %add3A_1055 : i32 to index
      %swap3A_1057 = arith.constant 80 : index
      %swap3A_1058 = tpu.vector_load %arg4[%swap3A_1056, %swap3A_1057] {strides = array<i32>} : memref<1000x128xf32, #tpu.memory_space<vmem>>, vector<16xf32>,
      tpu.vector_store %arg4[%swap3A_1056, %swap3A_1057], %broadcast_in_dim3A_3 {strides = array<i32>} : memref<1000x128xf32, #tpu.memory_space<vmem>>, vector<16xf32>,
      %mul3A_1059 = arith.constant 4 : i32
      %mul3A_1060 = arith.muli %scan3A_905, %mul3A_1059 : i32
      %add3A_1061 = arith.constant 2 : i32
      %add3A_1062 = arith.addi %mul3A_1060, %add3A_1061 : i32
      %swap3A_1063 = arith.index_cast %add3A_1062 : i32 to index
      %swap3A_1064 = arith.constant 96 : index
      %swap3A_1065 = tpu.vector_load %arg4[%swap3A_1063, %swap3A_1064] {strides = array<i32>} : memref<1000x128xf32, #tpu.memory_space<vmem>>, vector<16xf32>,
      tpu.vector_store %arg4[%swap3A_1063, %swap3A_1064], %broadcast_in_dim3A_3 {strides = array<i32>} : memref<1000x128xf32, #tpu.memory_space<vmem>>, vector<16xf32>,
      %mul3A_1066 = arith.constant 4 : i32
      %mul3A_1067 = arith.muli %scan3A_905, %mul3A_1066 : i32
      %add3A_1068 = arith.constant 2 : i32
      %add3A_1069 = arith.addi %mul3A_1067, %add3A_1068 : i32
      %swap3A_1070 = arith.index_cast %add3A_1069 : i32 to index
      %swap3A_1071 = arith.constant 112 : index
      %swap3A_1072 = tpu.vector_load %arg4[%swap3A_1070, %swap3A_1071] {strides = array<i32>} : memref<1000x128xf32, #tpu.memory_space<vmem>>, vector<16xf32>,
      tpu.vector_store %arg4[%swap3A_1070, %swap3A_1071], %broadcast_in_dim3A_3 {strides = array<i32>} : memref<1000x128xf32, #tpu.memory_space<vmem>>, vector<16xf32>,
      %mul3A_1073 = arith.constant 4 : i32
      %mul3A_1074 = arith.muli %scan3A_905, %mul3A_1073 : i32
      %add3A_1075 = arith.constant 3 : i32
      %add3A_1076 = arith.addi %mul3A_1074, %add3A_1075 : i32
      %swap3A_1077 = arith.index_cast %add3A_1076 : i32 to index
      %swap3A_1078 = arith.constant 0 : index
      %swap3A_1079 = tpu.vector_load %arg4[%swap3A_1077, %swap3A_1078] {strides = array<i32>} : memref<1000x128xf32, #tpu.memory_space<vmem>>, vector<16xf32>,
      tpu.vector_store %arg4[%swap3A_1077, %swap3A_1078], %broadcast_in_dim3A_3 {strides = array<i32>} : memref<1000x128xf32, #tpu.memory_space<vmem>>, vector<16xf32>,
      %mul3A_1080 = arith.constant 4 : i32
      %mul3A_1081 = arith.muli %scan3A_905, %mul3A_1080 : i32
      %add3A_1082 = arith.constant 3 : i32
      %add3A_1083 = arith.addi %mul3A_1081, %add3A_1082 : i32
      %swap3A_1084 = arith.index_cast %add3A_1083 : i32 to index
      %swap3A_1085 = arith.constant 16 : index
      %swap3A_1086 = tpu.vector_load %arg4[%swap3A_1084, %swap3A_1085] {strides = array<i32>} : memref<1000x128xf32, #tpu.memory_space<vmem>>, vector<16xf32>,
      tpu.vector_store %arg4[%swap3A_1084, %swap3A_1085], %broadcast_in_dim3A_3 {strides = array<i32>} : memref<1000x128xf32, #tpu.memory_space<vmem>>, vector<16xf32>,
      %mul3A_1087 = arith.constant 4 : i32
      %mul3A_1088 = arith.muli %scan3A_905, %mul3A_1087 : i32
      %add3A_1089 = arith.constant 3 : i32
      %add3A_1090 = arith.addi %mul3A_1088, %add3A_1089 : i32
      %swap3A_1091 = arith.index_cast %add3A_1090 : i32 to index
      %swap3A_1092 = arith.constant 32 : index
      %swap3A_1093 = tpu.vector_load %arg4[%swap3A_1091, %swap3A_1092] {strides = array<i32>} : memref<1000x128xf32, #tpu.memory_space<vmem>>, vector<16xf32>,
      tpu.vector_store %arg4[%swap3A_1091, %swap3A_1092], %broadcast_in_dim3A_3 {strides = array<i32>} : memref<1000x128xf32, #tpu.memory_space<vmem>>, vector<16xf32>,
      %mul3A_1094 = arith.constant 4 : i32
      %mul3A_1095 = arith.muli %scan3A_905, %mul3A_1094 : i32
      %add3A_1096 = arith.constant 3 : i32
      %add3A_1097 = arith.addi %mul3A_1095, %add3A_1096 : i32
      %swap3A_1098 = arith.index_cast %add3A_1097 : i32 to index
      %swap3A_1099 = arith.constant 48 : index
      %swap3A_1100 = tpu.vector_load %arg4[%swap3A_1098, %swap3A_1099] {strides = array<i32>} : memref<1000x128xf32, #tpu.memory_space<vmem>>, vector<16xf32>,
      tpu.vector_store %arg4[%swap3A_1098, %swap3A_1099], %broadcast_in_dim3A_3 {strides = array<i32>} : memref<1000x128xf32, #tpu.memory_space<vmem>>, vector<16xf32>,
      %mul3A_1101 = arith.constant 4 : i32
      %mul3A_1102 = arith.muli %scan3A_905, %mul3A_1101 : i32
      %add3A_1103 = arith.constant 3 : i32
      %add3A_1104 = arith.addi %mul3A_1102, %add3A_1103 : i32
      %swap3A_1105 = arith.index_cast %add3A_1104 : i32 to index
      %swap3A_1106 = arith.constant 64 : index
      %swap3A_1107 = tpu.vector_load %arg4[%swap3A_1105, %swap3A_1106] {strides = array<i32>} : memref<1000x128xf32, #tpu.memory_space<vmem>>, vector<16xf32>,
      tpu.vector_store %arg4[%swap3A_1105, %swap3A_1106], %broadcast_in_dim3A_3 {strides = array<i32>} : memref<1000x128xf32, #tpu.memory_space<vmem>>, vector<16xf32>,
      %mul3A_1108 = arith.constant 4 : i32
      %mul3A_1109 = arith.muli %scan3A_905, %mul3A_1108 : i32
      %add3A_1110 = arith.constant 3 : i32
      %add3A_1111 = arith.addi %mul3A_1109, %add3A_1110 : i32
      %swap3A_1112 = arith.index_cast %add3A_1111 : i32 to index
      %swap3A_1113 = arith.constant 80 : index
      %swap3A_1114 = tpu.vector_load %arg4[%swap3A_1112, %swap3A_1113] {strides = array<i32>} : memref<1000x128xf32, #tpu.memory_space<vmem>>, vector<16xf32>,
      tpu.vector_store %arg4[%swap3A_1112, %swap3A_1113], %broadcast_in_dim3A_3 {strides = array<i32>} : memref<1000x128xf32, #tpu.memory_space<vmem>>, vector<16xf32>,
      %mul3A_1115 = arith.constant 4 : i32
      %mul3A_1116 = arith.muli %scan3A_905, %mul3A_1115 : i32
      %add3A_1117 = arith.constant 3 : i32
      %add3A_1118 = arith.addi %mul3A_1116, %add3A_1117 : i32
      %swap3A_1119 = arith.index_cast %add3A_1118 : i32 to index
      %swap3A_1120 = arith.constant 96 : index
      %swap3A_1121 = tpu.vector_load %arg4[%swap3A_1119, %swap3A_1120] {strides = array<i32>} : memref<1000x128xf32, #tpu.memory_space<vmem>>, vector<16xf32>,
      tpu.vector_store %arg4[%swap3A_1119, %swap3A_1120], %broadcast_in_dim3A_3 {strides = array<i32>} : memref<1000x128xf32, #tpu.memory_space<vmem>>, vector<16xf32>,
      %mul3A_1122 = arith.constant 4 : i32
      %mul3A_1123 = arith.muli %scan3A_905, %mul3A_1122 : i32
      %add3A_1124 = arith.constant 3 : i32
      %add3A_1125 = arith.addi %mul3A_1123, %add3A_1124 : i32
      %swap3A_1126 = arith.index_cast %add3A_1125 : i32 to index
      %swap3A_1127 = arith.constant 112 : index
      %swap3A_1128 = tpu.vector_load %arg4[%swap3A_1126, %swap3A_1127] {strides = array<i32>} : memref<1000x128xf32, #tpu.memory_space<vmem>>, vector<16xf32>,
      tpu.vector_store %arg4[%swap3A_1126, %swap3A_1127], %broadcast_in_dim3A_3 {strides = array<i32>} : memref<1000x128xf32, #tpu.memory_space<vmem>>, vector<16xf32>,
    }
    %scan3A_10 = arith.constant 62 : i32
    %get3A = arith.constant 0 : index
    %get3A_11 = tpu.vector_load %arg5[%get3A] {strides = array<i32>} : memref<512xi32, #tpu.memory_space<vmem>>, vector<16xi32>,
    %add3A_12 = arith.constant 0 : i32
    %add3A_13 = vector.broadcast %add3A_12 : i32 to vector<16xi32>
    %add3A_14 = arith.addi %add3A_13, %iota3A : vector<16xi32>
    %get3A_15 = arith.constant 16 : index
    %get3A_16 = tpu.vector_load %arg5[%get3A_15] {strides = array<i32>} : memref<512xi32, #tpu.memory_space<vmem>>, vector<16xi32>,
    %add3A_17 = arith.constant 16 : i32
    %add3A_18 = vector.broadcast %add3A_17 : i32 to vector<16xi32>
    %add3A_19 = arith.addi %add3A_18, %iota3A : vector<16xi32>
    %get3A_20 = arith.constant 32 : index
    %get3A_21 = tpu.vector_load %arg5[%get3A_20] {strides = array<i32>} : memref<512xi32, #tpu.memory_space<vmem>>, vector<16xi32>,
    %add3A_22 = arith.constant 32 : i32
    %add3A_23 = vector.broadcast %add3A_22 : i32 to vector<16xi32>
    %add3A_24 = arith.addi %add3A_23, %iota3A : vector<16xi32>
    %get3A_25 = arith.constant 48 : index
    %get3A_26 = tpu.vector_load %arg5[%get3A_25] {strides = array<i32>} : memref<512xi32, #tpu.memory_space<vmem>>, vector<16xi32>,
    %add3A_27 = arith.constant 48 : i32
    %add3A_28 = vector.broadcast %add3A_27 : i32 to vector<16xi32>
    %add3A_29 = arith.addi %add3A_28, %iota3A : vector<16xi32>
    %get3A_30 = arith.constant 64 : index
    %get3A_31 = tpu.vector_load %arg5[%get3A_30] {strides = array<i32>} : memref<512xi32, #tpu.memory_space<vmem>>, vector<16xi32>,
    %add3A_32 = arith.constant 64 : i32
    %add3A_33 = vector.broadcast %add3A_32 : i32 to vector<16xi32>
    %add3A_34 = arith.addi %add3A_33, %iota3A : vector<16xi32>
    %get3A_35 = arith.constant 80 : index
    %get3A_36 = tpu.vector_load %arg5[%get3A_35] {strides = array<i32>} : memref<512xi32, #tpu.memory_space<vmem>>, vector<16xi32>,
    %add3A_37 = arith.constant 80 : i32
    %add3A_38 = vector.broadcast %add3A_37 : i32 to vector<16xi32>
    %add3A_39 = arith.addi %add3A_38, %iota3A : vector<16xi32>
    %get3A_40 = arith.constant 96 : index
    %get3A_41 = tpu.vector_load %arg5[%get3A_40] {strides = array<i32>} : memref<512xi32, #tpu.memory_space<vmem>>, vector<16xi32>,
    %add3A_42 = arith.constant 96 : i32
    %add3A_43 = vector.broadcast %add3A_42 : i32 to vector<16xi32>
    %add3A_44 = arith.addi %add3A_43, %iota3A : vector<16xi32>
    %get3A_45 = arith.constant 112 : index
    %get3A_46 = tpu.vector_load %arg5[%get3A_45] {strides = array<i32>} : memref<512xi32, #tpu.memory_space<vmem>>, vector<16xi32>,
    %add3A_47 = arith.constant 112 : i32
    %add3A_48 = vector.broadcast %add3A_47 : i32 to vector<16xi32>
    %add3A_49 = arith.addi %add3A_48, %iota3A : vector<16xi32>
    %ge3A = arith.constant 0 : i32
    %ge3A_50 = vector.broadcast %ge3A : i32 to vector<16xi32>
    %ge3A_51 = arith.cmpi sge, %get3A_11, %ge3A_50 : vector<16xi32>
    %lt3A = arith.constant 248 : i32
    %lt3A_52 = vector.broadcast %lt3A : i32 to vector<16xi32>
    %lt3A_53 = arith.cmpi slt, %get3A_11, %lt3A_52 : vector<16xi32>
    %and3A = arith.andi %ge3A_51, %lt3A_53 : vector<16xi1>
    tpu.vector_store_idx %arg4[%get3A_11, %add3A_14], %broadcast_in_dim3A_5 masked %and3A : memref<1000x128xf32, #tpu.memory_space<vmem>>[vector<16xi32>, vector<16xi32>], vector<16xf32>, vector<16xi1>
    %ge3A_54 = arith.constant 0 : i32
    %ge3A_55 = vector.broadcast %ge3A_54 : i32 to vector<16xi32>
    %ge3A_56 = arith.cmpi sge, %get3A_16, %ge3A_55 : vector<16xi32>
    %lt3A_57 = arith.constant 248 : i32
    %lt3A_58 = vector.broadcast %lt3A_57 : i32 to vector<16xi32>
    %lt3A_59 = arith.cmpi slt, %get3A_16, %lt3A_58 : vector<16xi32>
    %and3A_60 = arith.andi %ge3A_56, %lt3A_59 : vector<16xi1>
    tpu.vector_store_idx %arg4[%get3A_16, %add3A_19], %broadcast_in_dim3A_5 masked %and3A_60 : memref<1000x128xf32, #tpu.memory_space<vmem>>[vector<16xi32>, vector<16xi32>], vector<16xf32>, vector<16xi1>
    %ge3A_61 = arith.constant 0 : i32
    %ge3A_62 = vector.broadcast %ge3A_61 : i32 to vector<16xi32>
    %ge3A_63 = arith.cmpi sge, %get3A_21, %ge3A_62 : vector<16xi32>
    %lt3A_64 = arith.constant 248 : i32
    %lt3A_65 = vector.broadcast %lt3A_64 : i32 to vector<16xi32>
    %lt3A_66 = arith.cmpi slt, %get3A_21, %lt3A_65 : vector<16xi32>
    %and3A_67 = arith.andi %ge3A_63, %lt3A_66 : vector<16xi1>
    tpu.vector_store_idx %arg4[%get3A_21, %add3A_24], %broadcast_in_dim3A_5 masked %and3A_67 : memref<1000x128xf32, #tpu.memory_space<vmem>>[vector<16xi32>, vector<16xi32>], vector<16xf32>, vector<16xi1>
    %ge3A_68 = arith.constant 0 : i32
    %ge3A_69 = vector.broadcast %ge3A_68 : i32 to vector<16xi32>
    %ge3A_70 = arith.cmpi sge, %get3A_26, %ge3A_69 : vector<16xi32>
    %lt3A_71 = arith.constant 248 : i32
    %lt3A_72 = vector.broadcast %lt3A_71 : i32 to vector<16xi32>
    %lt3A_73 = arith.cmpi slt, %get3A_26, %lt3A_72 : vector<16xi32>
    %and3A_74 = arith.andi %ge3A_70, %lt3A_73 : vector<16xi1>
    tpu.vector_store_idx %arg4[%get3A_26, %add3A_29], %broadcast_in_dim3A_5 masked %and3A_74 : memref<1000x128xf32, #tpu.memory_space<vmem>>[vector<16xi32>, vector<16xi32>], vector<16xf32>, vector<16xi1>
    %ge3A_75 = arith.constant 0 : i32
    %ge3A_76 = vector.broadcast %ge3A_75 : i32 to vector<16xi32>
    %ge3A_77 = arith.cmpi sge, %get3A_31, %ge3A_76 : vector<16xi32>
    %lt3A_78 = arith.constant 248 : i32
    %lt3A_79 = vector.broadcast %lt3A_78 : i32 to vector<16xi32>
    %lt3A_80 = arith.cmpi slt, %get3A_31, %lt3A_79 : vector<16xi32>
    %and3A_81 = arith.andi %ge3A_77, %lt3A_80 : vector<16xi1>
    tpu.vector_store_idx %arg4[%get3A_31, %add3A_34], %broadcast_in_dim3A_5 masked %and3A_81 : memref<1000x128xf32, #tpu.memory_space<vmem>>[vector<16xi32>, vector<16xi32>], vector<16xf32>, vector<16xi1>
    %ge3A_82 = arith.constant 0 : i32
    %ge3A_83 = vector.broadcast %ge3A_82 : i32 to vector<16xi32>
    %ge3A_84 = arith.cmpi sge, %get3A_36, %ge3A_83 : vector<16xi32>
    %lt3A_85 = arith.constant 248 : i32
    %lt3A_86 = vector.broadcast %lt3A_85 : i32 to vector<16xi32>
    %lt3A_87 = arith.cmpi slt, %get3A_36, %lt3A_86 : vector<16xi32>
    %and3A_88 = arith.andi %ge3A_84, %lt3A_87 : vector<16xi1>
    tpu.vector_store_idx %arg4[%get3A_36, %add3A_39], %broadcast_in_dim3A_5 masked %and3A_88 : memref<1000x128xf32, #tpu.memory_space<vmem>>[vector<16xi32>, vector<16xi32>], vector<16xf32>, vector<16xi1>
    %ge3A_89 = arith.constant 0 : i32
    %ge3A_90 = vector.broadcast %ge3A_89 : i32 to vector<16xi32>
    %ge3A_91 = arith.cmpi sge, %get3A_41, %ge3A_90 : vector<16xi32>
    %lt3A_92 = arith.constant 248 : i32
    %lt3A_93 = vector.broadcast %lt3A_92 : i32 to vector<16xi32>
    %lt3A_94 = arith.cmpi slt, %get3A_41, %lt3A_93 : vector<16xi32>
    %and3A_95 = arith.andi %ge3A_91, %lt3A_94 : vector<16xi1>
    tpu.vector_store_idx %arg4[%get3A_41, %add3A_44], %broadcast_in_dim3A_5 masked %and3A_95 : memref<1000x128xf32, #tpu.memory_space<vmem>>[vector<16xi32>, vector<16xi32>], vector<16xf32>, vector<16xi1>
    %ge3A_96 = arith.constant 0 : i32
    %ge3A_97 = vector.broadcast %ge3A_96 : i32 to vector<16xi32>
    %ge3A_98 = arith.cmpi sge, %get3A_46, %ge3A_97 : vector<16xi32>
    %lt3A_99 = arith.constant 248 : i32
    %lt3A_100 = vector.broadcast %lt3A_99 : i32 to vector<16xi32>
    %lt3A_101 = arith.cmpi slt, %get3A_46, %lt3A_100 : vector<16xi32>
    %and3A_102 = arith.andi %ge3A_98, %lt3A_101 : vector<16xi1>
    tpu.vector_store_idx %arg4[%get3A_46, %add3A_49], %broadcast_in_dim3A_5 masked %and3A_102 : memref<1000x128xf32, #tpu.memory_space<vmem>>[vector<16xi32>, vector<16xi32>], vector<16xf32>, vector<16xi1>
    %add3A_103 = arith.constant 0 : i32
    %add3A_104 = arith.addi %mul3A_2, %add3A_103 : i32
    %dma_start3A = arith.constant 0 : i32
    %dma_start3A_105 = arith.constant 0 : i32
    %dma_start3A_106 = tpu.memref_slice %arg4[%dma_start3A, %dma_start3A_105] : memref<1000x128xf32, #tpu.memory_space<vmem>> -> memref<248x128xf32, #tpu.memory_space<vmem>>
    %dma_start3A_107 = arith.constant 0 : i32
    %dma_start3A_108 = tpu.memref_slice %arg3[%dma_start3A_107, %add3A_104] : memref<1000x16384xf32, #tpu.memory_space<hbm>> -> memref<248x128xf32, #tpu.memory_space<hbm>>
    %dma_start3A_109 = arith.constant 0 : i32
    %dma_start3A_110 = tpu.memref_slice %arg3[%dma_start3A_109, %add3A_104] : memref<1000x16384xf32, #tpu.memory_space<hbm>> -> memref<248x128xf32, #tpu.memory_space<hbm>>
    %dma_start3A_111 = arith.constant 0 : i32
    %dma_start3A_112 = arith.constant 0 : i32
    %dma_start3A_113 = tpu.memref_slice %arg4[%dma_start3A_111, %dma_start3A_112] : memref<1000x128xf32, #tpu.memory_space<vmem>> -> memref<248x128xf32, #tpu.memory_space<vmem>>
    tpu.enqueue_dma source(%dma_start3A_113 : memref<248x128xf32, #tpu.memory_space<vmem>>) target(%dma_start3A_110 : memref<248x128xf32, #tpu.memory_space<hbm>>) target_semaphore(%arg6 : memref<!tpu.dma_semaphore, #tpu.memory_space<semaphore_mem>>)
    %scan3A_114 = arith.constant 0 : i32
    %scan3A_115 = arith.constant 62 : i32
    %scan3A_116 = arith.constant 64 : i32
    %scan3A_117 = arith.addi %scan3A_115, %scan3A_116 : i32
    %scan3A_118 = arith.constant 1 : i32
    scf.for %scan3A_905 = %scan3A_115 to %scan3A_117 step %scan3A_118  : i32 {
      %mul3A_906 = arith.constant 4 : i32
      %mul3A_907 = arith.muli %scan3A_905, %mul3A_906 : i32
      %add3A_908 = arith.constant 0 : i32
      %add3A_909 = arith.addi %mul3A_907, %add3A_908 : i32
      %swap3A = arith.index_cast %add3A_909 : i32 to index
      %swap3A_910 = arith.constant 0 : index
      %swap3A_911 = tpu.vector_load %arg4[%swap3A, %swap3A_910] {strides = array<i32>} : memref<1000x128xf32, #tpu.memory_space<vmem>>, vector<16xf32>,
      tpu.vector_store %arg4[%swap3A, %swap3A_910], %broadcast_in_dim3A_3 {strides = array<i32>} : memref<1000x128xf32, #tpu.memory_space<vmem>>, vector<16xf32>,
      %mul3A_912 = arith.constant 4 : i32
      %mul3A_913 = arith.muli %scan3A_905, %mul3A_912 : i32
      %add3A_914 = arith.constant 0 : i32
      %add3A_915 = arith.addi %mul3A_913, %add3A_914 : i32
      %swap3A_916 = arith.index_cast %add3A_915 : i32 to index
      %swap3A_917 = arith.constant 16 : index
      %swap3A_918 = tpu.vector_load %arg4[%swap3A_916, %swap3A_917] {strides = array<i32>} : memref<1000x128xf32, #tpu.memory_space<vmem>>, vector<16xf32>,
      tpu.vector_store %arg4[%swap3A_916, %swap3A_917], %broadcast_in_dim3A_3 {strides = array<i32>} : memref<1000x128xf32, #tpu.memory_space<vmem>>, vector<16xf32>,
      %mul3A_919 = arith.constant 4 : i32
      %mul3A_920 = arith.muli %scan3A_905, %mul3A_919 : i32
      %add3A_921 = arith.constant 0 : i32
      %add3A_922 = arith.addi %mul3A_920, %add3A_921 : i32
      %swap3A_923 = arith.index_cast %add3A_922 : i32 to index
      %swap3A_924 = arith.constant 32 : index
      %swap3A_925 = tpu.vector_load %arg4[%swap3A_923, %swap3A_924] {strides = array<i32>} : memref<1000x128xf32, #tpu.memory_space<vmem>>, vector<16xf32>,
      tpu.vector_store %arg4[%swap3A_923, %swap3A_924], %broadcast_in_dim3A_3 {strides = array<i32>} : memref<1000x128xf32, #tpu.memory_space<vmem>>, vector<16xf32>,
      %mul3A_926 = arith.constant 4 : i32
      %mul3A_927 = arith.muli %scan3A_905, %mul3A_926 : i32
      %add3A_928 = arith.constant 0 : i32
      %add3A_929 = arith.addi %mul3A_927, %add3A_928 : i32
      %swap3A_930 = arith.index_cast %add3A_929 : i32 to index
      %swap3A_931 = arith.constant 48 : index
      %swap3A_932 = tpu.vector_load %arg4[%swap3A_930, %swap3A_931] {strides = array<i32>} : memref<1000x128xf32, #tpu.memory_space<vmem>>, vector<16xf32>,
      tpu.vector_store %arg4[%swap3A_930, %swap3A_931], %broadcast_in_dim3A_3 {strides = array<i32>} : memref<1000x128xf32, #tpu.memory_space<vmem>>, vector<16xf32>,
      %mul3A_933 = arith.constant 4 : i32
      %mul3A_934 = arith.muli %scan3A_905, %mul3A_933 : i32
      %add3A_935 = arith.constant 0 : i32
      %add3A_936 = arith.addi %mul3A_934, %add3A_935 : i32
      %swap3A_937 = arith.index_cast %add3A_936 : i32 to index
      %swap3A_938 = arith.constant 64 : index
      %swap3A_939 = tpu.vector_load %arg4[%swap3A_937, %swap3A_938] {strides = array<i32>} : memref<1000x128xf32, #tpu.memory_space<vmem>>, vector<16xf32>,
      tpu.vector_store %arg4[%swap3A_937, %swap3A_938], %broadcast_in_dim3A_3 {strides = array<i32>} : memref<1000x128xf32, #tpu.memory_space<vmem>>, vector<16xf32>,
      %mul3A_940 = arith.constant 4 : i32
      %mul3A_941 = arith.muli %scan3A_905, %mul3A_940 : i32
      %add3A_942 = arith.constant 0 : i32
      %add3A_943 = arith.addi %mul3A_941, %add3A_942 : i32
      %swap3A_944 = arith.index_cast %add3A_943 : i32 to index
      %swap3A_945 = arith.constant 80 : index
      %swap3A_946 = tpu.vector_load %arg4[%swap3A_944, %swap3A_945] {strides = array<i32>} : memref<1000x128xf32, #tpu.memory_space<vmem>>, vector<16xf32>,
      tpu.vector_store %arg4[%swap3A_944, %swap3A_945], %broadcast_in_dim3A_3 {strides = array<i32>} : memref<1000x128xf32, #tpu.memory_space<vmem>>, vector<16xf32>,
      %mul3A_947 = arith.constant 4 : i32
      %mul3A_948 = arith.muli %scan3A_905, %mul3A_947 : i32
      %add3A_949 = arith.constant 0 : i32
      %add3A_950 = arith.addi %mul3A_948, %add3A_949 : i32
      %swap3A_951 = arith.index_cast %add3A_950 : i32 to index
      %swap3A_952 = arith.constant 96 : index
      %swap3A_953 = tpu.vector_load %arg4[%swap3A_951, %swap3A_952] {strides = array<i32>} : memref<1000x128xf32, #tpu.memory_space<vmem>>, vector<16xf32>,
      tpu.vector_store %arg4[%swap3A_951, %swap3A_952], %broadcast_in_dim3A_3 {strides = array<i32>} : memref<1000x128xf32, #tpu.memory_space<vmem>>, vector<16xf32>,
      %mul3A_954 = arith.constant 4 : i32
      %mul3A_955 = arith.muli %scan3A_905, %mul3A_954 : i32
      %add3A_956 = arith.constant 0 : i32
      %add3A_957 = arith.addi %mul3A_955, %add3A_956 : i32
      %swap3A_958 = arith.index_cast %add3A_957 : i32 to index
      %swap3A_959 = arith.constant 112 : index
      %swap3A_960 = tpu.vector_load %arg4[%swap3A_958, %swap3A_959] {strides = array<i32>} : memref<1000x128xf32, #tpu.memory_space<vmem>>, vector<16xf32>,
      tpu.vector_store %arg4[%swap3A_958, %swap3A_959], %broadcast_in_dim3A_3 {strides = array<i32>} : memref<1000x128xf32, #tpu.memory_space<vmem>>, vector<16xf32>,
      %mul3A_961 = arith.constant 4 : i32
      %mul3A_962 = arith.muli %scan3A_905, %mul3A_961 : i32
      %add3A_963 = arith.constant 1 : i32
      %add3A_964 = arith.addi %mul3A_962, %add3A_963 : i32
      %swap3A_965 = arith.index_cast %add3A_964 : i32 to index
      %swap3A_966 = arith.constant 0 : index
      %swap3A_967 = tpu.vector_load %arg4[%swap3A_965, %swap3A_966] {strides = array<i32>} : memref<1000x128xf32, #tpu.memory_space<vmem>>, vector<16xf32>,
      tpu.vector_store %arg4[%swap3A_965, %swap3A_966], %broadcast_in_dim3A_3 {strides = array<i32>} : memref<1000x128xf32, #tpu.memory_space<vmem>>, vector<16xf32>,
      %mul3A_968 = arith.constant 4 : i32
      %mul3A_969 = arith.muli %scan3A_905, %mul3A_968 : i32
      %add3A_970 = arith.constant 1 : i32
      %add3A_971 = arith.addi %mul3A_969, %add3A_970 : i32
      %swap3A_972 = arith.index_cast %add3A_971 : i32 to index
      %swap3A_973 = arith.constant 16 : index
      %swap3A_974 = tpu.vector_load %arg4[%swap3A_972, %swap3A_973] {strides = array<i32>} : memref<1000x128xf32, #tpu.memory_space<vmem>>, vector<16xf32>,
      tpu.vector_store %arg4[%swap3A_972, %swap3A_973], %broadcast_in_dim3A_3 {strides = array<i32>} : memref<1000x128xf32, #tpu.memory_space<vmem>>, vector<16xf32>,
      %mul3A_975 = arith.constant 4 : i32
      %mul3A_976 = arith.muli %scan3A_905, %mul3A_975 : i32
      %add3A_977 = arith.constant 1 : i32
      %add3A_978 = arith.addi %mul3A_976, %add3A_977 : i32
      %swap3A_979 = arith.index_cast %add3A_978 : i32 to index
      %swap3A_980 = arith.constant 32 : index
      %swap3A_981 = tpu.vector_load %arg4[%swap3A_979, %swap3A_980] {strides = array<i32>} : memref<1000x128xf32, #tpu.memory_space<vmem>>, vector<16xf32>,
      tpu.vector_store %arg4[%swap3A_979, %swap3A_980], %broadcast_in_dim3A_3 {strides = array<i32>} : memref<1000x128xf32, #tpu.memory_space<vmem>>, vector<16xf32>,
      %mul3A_982 = arith.constant 4 : i32
      %mul3A_983 = arith.muli %scan3A_905, %mul3A_982 : i32
      %add3A_984 = arith.constant 1 : i32
      %add3A_985 = arith.addi %mul3A_983, %add3A_984 : i32
      %swap3A_986 = arith.index_cast %add3A_985 : i32 to index
      %swap3A_987 = arith.constant 48 : index
      %swap3A_988 = tpu.vector_load %arg4[%swap3A_986, %swap3A_987] {strides = array<i32>} : memref<1000x128xf32, #tpu.memory_space<vmem>>, vector<16xf32>,
      tpu.vector_store %arg4[%swap3A_986, %swap3A_987], %broadcast_in_dim3A_3 {strides = array<i32>} : memref<1000x128xf32, #tpu.memory_space<vmem>>, vector<16xf32>,
      %mul3A_989 = arith.constant 4 : i32
      %mul3A_990 = arith.muli %scan3A_905, %mul3A_989 : i32
      %add3A_991 = arith.constant 1 : i32
      %add3A_992 = arith.addi %mul3A_990, %add3A_991 : i32
      %swap3A_993 = arith.index_cast %add3A_992 : i32 to index
      %swap3A_994 = arith.constant 64 : index
      %swap3A_995 = tpu.vector_load %arg4[%swap3A_993, %swap3A_994] {strides = array<i32>} : memref<1000x128xf32, #tpu.memory_space<vmem>>, vector<16xf32>,
      tpu.vector_store %arg4[%swap3A_993, %swap3A_994], %broadcast_in_dim3A_3 {strides = array<i32>} : memref<1000x128xf32, #tpu.memory_space<vmem>>, vector<16xf32>,
      %mul3A_996 = arith.constant 4 : i32
      %mul3A_997 = arith.muli %scan3A_905, %mul3A_996 : i32
      %add3A_998 = arith.constant 1 : i32
      %add3A_999 = arith.addi %mul3A_997, %add3A_998 : i32
      %swap3A_1000 = arith.index_cast %add3A_999 : i32 to index
      %swap3A_1001 = arith.constant 80 : index
      %swap3A_1002 = tpu.vector_load %arg4[%swap3A_1000, %swap3A_1001] {strides = array<i32>} : memref<1000x128xf32, #tpu.memory_space<vmem>>, vector<16xf32>,
      tpu.vector_store %arg4[%swap3A_1000, %swap3A_1001], %broadcast_in_dim3A_3 {strides = array<i32>} : memref<1000x128xf32, #tpu.memory_space<vmem>>, vector<16xf32>,
      %mul3A_1003 = arith.constant 4 : i32
      %mul3A_1004 = arith.muli %scan3A_905, %mul3A_1003 : i32
      %add3A_1005 = arith.constant 1 : i32
      %add3A_1006 = arith.addi %mul3A_1004, %add3A_1005 : i32
      %swap3A_1007 = arith.index_cast %add3A_1006 : i32 to index
      %swap3A_1008 = arith.constant 96 : index
      %swap3A_1009 = tpu.vector_load %arg4[%swap3A_1007, %swap3A_1008] {strides = array<i32>} : memref<1000x128xf32, #tpu.memory_space<vmem>>, vector<16xf32>,
      tpu.vector_store %arg4[%swap3A_1007, %swap3A_1008], %broadcast_in_dim3A_3 {strides = array<i32>} : memref<1000x128xf32, #tpu.memory_space<vmem>>, vector<16xf32>,
      %mul3A_1010 = arith.constant 4 : i32
      %mul3A_1011 = arith.muli %scan3A_905, %mul3A_1010 : i32
      %add3A_1012 = arith.constant 1 : i32
      %add3A_1013 = arith.addi %mul3A_1011, %add3A_1012 : i32
      %swap3A_1014 = arith.index_cast %add3A_1013 : i32 to index
      %swap3A_1015 = arith.constant 112 : index
      %swap3A_1016 = tpu.vector_load %arg4[%swap3A_1014, %swap3A_1015] {strides = array<i32>} : memref<1000x128xf32, #tpu.memory_space<vmem>>, vector<16xf32>,
      tpu.vector_store %arg4[%swap3A_1014, %swap3A_1015], %broadcast_in_dim3A_3 {strides = array<i32>} : memref<1000x128xf32, #tpu.memory_space<vmem>>, vector<16xf32>,
      %mul3A_1017 = arith.constant 4 : i32
      %mul3A_1018 = arith.muli %scan3A_905, %mul3A_1017 : i32
      %add3A_1019 = arith.constant 2 : i32
      %add3A_1020 = arith.addi %mul3A_1018, %add3A_1019 : i32
      %swap3A_1021 = arith.index_cast %add3A_1020 : i32 to index
      %swap3A_1022 = arith.constant 0 : index
      %swap3A_1023 = tpu.vector_load %arg4[%swap3A_1021, %swap3A_1022] {strides = array<i32>} : memref<1000x128xf32, #tpu.memory_space<vmem>>, vector<16xf32>,
      tpu.vector_store %arg4[%swap3A_1021, %swap3A_1022], %broadcast_in_dim3A_3 {strides = array<i32>} : memref<1000x128xf32, #tpu.memory_space<vmem>>, vector<16xf32>,
      %mul3A_1024 = arith.constant 4 : i32
      %mul3A_1025 = arith.muli %scan3A_905, %mul3A_1024 : i32
      %add3A_1026 = arith.constant 2 : i32
      %add3A_1027 = arith.addi %mul3A_1025, %add3A_1026 : i32
      %swap3A_1028 = arith.index_cast %add3A_1027 : i32 to index
      %swap3A_1029 = arith.constant 16 : index
      %swap3A_1030 = tpu.vector_load %arg4[%swap3A_1028, %swap3A_1029] {strides = array<i32>} : memref<1000x128xf32, #tpu.memory_space<vmem>>, vector<16xf32>,
      tpu.vector_store %arg4[%swap3A_1028, %swap3A_1029], %broadcast_in_dim3A_3 {strides = array<i32>} : memref<1000x128xf32, #tpu.memory_space<vmem>>, vector<16xf32>,
      %mul3A_1031 = arith.constant 4 : i32
      %mul3A_1032 = arith.muli %scan3A_905, %mul3A_1031 : i32
      %add3A_1033 = arith.constant 2 : i32
      %add3A_1034 = arith.addi %mul3A_1032, %add3A_1033 : i32
      %swap3A_1035 = arith.index_cast %add3A_1034 : i32 to index
      %swap3A_1036 = arith.constant 32 : index
      %swap3A_1037 = tpu.vector_load %arg4[%swap3A_1035, %swap3A_1036] {strides = array<i32>} : memref<1000x128xf32, #tpu.memory_space<vmem>>, vector<16xf32>,
      tpu.vector_store %arg4[%swap3A_1035, %swap3A_1036], %broadcast_in_dim3A_3 {strides = array<i32>} : memref<1000x128xf32, #tpu.memory_space<vmem>>, vector<16xf32>,
      %mul3A_1038 = arith.constant 4 : i32
      %mul3A_1039 = arith.muli %scan3A_905, %mul3A_1038 : i32
      %add3A_1040 = arith.constant 2 : i32
      %add3A_1041 = arith.addi %mul3A_1039, %add3A_1040 : i32
      %swap3A_1042 = arith.index_cast %add3A_1041 : i32 to index
      %swap3A_1043 = arith.constant 48 : index
      %swap3A_1044 = tpu.vector_load %arg4[%swap3A_1042, %swap3A_1043] {strides = array<i32>} : memref<1000x128xf32, #tpu.memory_space<vmem>>, vector<16xf32>,
      tpu.vector_store %arg4[%swap3A_1042, %swap3A_1043], %broadcast_in_dim3A_3 {strides = array<i32>} : memref<1000x128xf32, #tpu.memory_space<vmem>>, vector<16xf32>,
      %mul3A_1045 = arith.constant 4 : i32
      %mul3A_1046 = arith.muli %scan3A_905, %mul3A_1045 : i32
      %add3A_1047 = arith.constant 2 : i32
      %add3A_1048 = arith.addi %mul3A_1046, %add3A_1047 : i32
      %swap3A_1049 = arith.index_cast %add3A_1048 : i32 to index
      %swap3A_1050 = arith.constant 64 : index
      %swap3A_1051 = tpu.vector_load %arg4[%swap3A_1049, %swap3A_1050] {strides = array<i32>} : memref<1000x128xf32, #tpu.memory_space<vmem>>, vector<16xf32>,
      tpu.vector_store %arg4[%swap3A_1049, %swap3A_1050], %broadcast_in_dim3A_3 {strides = array<i32>} : memref<1000x128xf32, #tpu.memory_space<vmem>>, vector<16xf32>,
      %mul3A_1052 = arith.constant 4 : i32
      %mul3A_1053 = arith.muli %scan3A_905, %mul3A_1052 : i32
      %add3A_1054 = arith.constant 2 : i32
      %add3A_1055 = arith.addi %mul3A_1053, %add3A_1054 : i32
      %swap3A_1056 = arith.index_cast %add3A_1055 : i32 to index
      %swap3A_1057 = arith.constant 80 : index
      %swap3A_1058 = tpu.vector_load %arg4[%swap3A_1056, %swap3A_1057] {strides = array<i32>} : memref<1000x128xf32, #tpu.memory_space<vmem>>, vector<16xf32>,
      tpu.vector_store %arg4[%swap3A_1056, %swap3A_1057], %broadcast_in_dim3A_3 {strides = array<i32>} : memref<1000x128xf32, #tpu.memory_space<vmem>>, vector<16xf32>,
      %mul3A_1059 = arith.constant 4 : i32
      %mul3A_1060 = arith.muli %scan3A_905, %mul3A_1059 : i32
      %add3A_1061 = arith.constant 2 : i32
      %add3A_1062 = arith.addi %mul3A_1060, %add3A_1061 : i32
      %swap3A_1063 = arith.index_cast %add3A_1062 : i32 to index
      %swap3A_1064 = arith.constant 96 : index
      %swap3A_1065 = tpu.vector_load %arg4[%swap3A_1063, %swap3A_1064] {strides = array<i32>} : memref<1000x128xf32, #tpu.memory_space<vmem>>, vector<16xf32>,
      tpu.vector_store %arg4[%swap3A_1063, %swap3A_1064], %broadcast_in_dim3A_3 {strides = array<i32>} : memref<1000x128xf32, #tpu.memory_space<vmem>>, vector<16xf32>,
      %mul3A_1066 = arith.constant 4 : i32
      %mul3A_1067 = arith.muli %scan3A_905, %mul3A_1066 : i32
      %add3A_1068 = arith.constant 2 : i32
      %add3A_1069 = arith.addi %mul3A_1067, %add3A_1068 : i32
      %swap3A_1070 = arith.index_cast %add3A_1069 : i32 to index
      %swap3A_1071 = arith.constant 112 : index
      %swap3A_1072 = tpu.vector_load %arg4[%swap3A_1070, %swap3A_1071] {strides = array<i32>} : memref<1000x128xf32, #tpu.memory_space<vmem>>, vector<16xf32>,
      tpu.vector_store %arg4[%swap3A_1070, %swap3A_1071], %broadcast_in_dim3A_3 {strides = array<i32>} : memref<1000x128xf32, #tpu.memory_space<vmem>>, vector<16xf32>,
      %mul3A_1073 = arith.constant 4 : i32
      %mul3A_1074 = arith.muli %scan3A_905, %mul3A_1073 : i32
      %add3A_1075 = arith.constant 3 : i32
      %add3A_1076 = arith.addi %mul3A_1074, %add3A_1075 : i32
      %swap3A_1077 = arith.index_cast %add3A_1076 : i32 to index
      %swap3A_1078 = arith.constant 0 : index
      %swap3A_1079 = tpu.vector_load %arg4[%swap3A_1077, %swap3A_1078] {strides = array<i32>} : memref<1000x128xf32, #tpu.memory_space<vmem>>, vector<16xf32>,
      tpu.vector_store %arg4[%swap3A_1077, %swap3A_1078], %broadcast_in_dim3A_3 {strides = array<i32>} : memref<1000x128xf32, #tpu.memory_space<vmem>>, vector<16xf32>,
      %mul3A_1080 = arith.constant 4 : i32
      %mul3A_1081 = arith.muli %scan3A_905, %mul3A_1080 : i32
      %add3A_1082 = arith.constant 3 : i32
      %add3A_1083 = arith.addi %mul3A_1081, %add3A_1082 : i32
      %swap3A_1084 = arith.index_cast %add3A_1083 : i32 to index
      %swap3A_1085 = arith.constant 16 : index
      %swap3A_1086 = tpu.vector_load %arg4[%swap3A_1084, %swap3A_1085] {strides = array<i32>} : memref<1000x128xf32, #tpu.memory_space<vmem>>, vector<16xf32>,
      tpu.vector_store %arg4[%swap3A_1084, %swap3A_1085], %broadcast_in_dim3A_3 {strides = array<i32>} : memref<1000x128xf32, #tpu.memory_space<vmem>>, vector<16xf32>,
      %mul3A_1087 = arith.constant 4 : i32
      %mul3A_1088 = arith.muli %scan3A_905, %mul3A_1087 : i32
      %add3A_1089 = arith.constant 3 : i32
      %add3A_1090 = arith.addi %mul3A_1088, %add3A_1089 : i32
      %swap3A_1091 = arith.index_cast %add3A_1090 : i32 to index
      %swap3A_1092 = arith.constant 32 : index
      %swap3A_1093 = tpu.vector_load %arg4[%swap3A_1091, %swap3A_1092] {strides = array<i32>} : memref<1000x128xf32, #tpu.memory_space<vmem>>, vector<16xf32>,
      tpu.vector_store %arg4[%swap3A_1091, %swap3A_1092], %broadcast_in_dim3A_3 {strides = array<i32>} : memref<1000x128xf32, #tpu.memory_space<vmem>>, vector<16xf32>,
      %mul3A_1094 = arith.constant 4 : i32
      %mul3A_1095 = arith.muli %scan3A_905, %mul3A_1094 : i32
      %add3A_1096 = arith.constant 3 : i32
      %add3A_1097 = arith.addi %mul3A_1095, %add3A_1096 : i32
      %swap3A_1098 = arith.index_cast %add3A_1097 : i32 to index
      %swap3A_1099 = arith.constant 48 : index
      %swap3A_1100 = tpu.vector_load %arg4[%swap3A_1098, %swap3A_1099] {strides = array<i32>} : memref<1000x128xf32, #tpu.memory_space<vmem>>, vector<16xf32>,
      tpu.vector_store %arg4[%swap3A_1098, %swap3A_1099], %broadcast_in_dim3A_3 {strides = array<i32>} : memref<1000x128xf32, #tpu.memory_space<vmem>>, vector<16xf32>,
      %mul3A_1101 = arith.constant 4 : i32
      %mul3A_1102 = arith.muli %scan3A_905, %mul3A_1101 : i32
      %add3A_1103 = arith.constant 3 : i32
      %add3A_1104 = arith.addi %mul3A_1102, %add3A_1103 : i32
      %swap3A_1105 = arith.index_cast %add3A_1104 : i32 to index
      %swap3A_1106 = arith.constant 64 : index
      %swap3A_1107 = tpu.vector_load %arg4[%swap3A_1105, %swap3A_1106] {strides = array<i32>} : memref<1000x128xf32, #tpu.memory_space<vmem>>, vector<16xf32>,
      tpu.vector_store %arg4[%swap3A_1105, %swap3A_1106], %broadcast_in_dim3A_3 {strides = array<i32>} : memref<1000x128xf32, #tpu.memory_space<vmem>>, vector<16xf32>,
      %mul3A_1108 = arith.constant 4 : i32
      %mul3A_1109 = arith.muli %scan3A_905, %mul3A_1108 : i32
      %add3A_1110 = arith.constant 3 : i32
      %add3A_1111 = arith.addi %mul3A_1109, %add3A_1110 : i32
      %swap3A_1112 = arith.index_cast %add3A_1111 : i32 to index
      %swap3A_1113 = arith.constant 80 : index
      %swap3A_1114 = tpu.vector_load %arg4[%swap3A_1112, %swap3A_1113] {strides = array<i32>} : memref<1000x128xf32, #tpu.memory_space<vmem>>, vector<16xf32>,
      tpu.vector_store %arg4[%swap3A_1112, %swap3A_1113], %broadcast_in_dim3A_3 {strides = array<i32>} : memref<1000x128xf32, #tpu.memory_space<vmem>>, vector<16xf32>,
      %mul3A_1115 = arith.constant 4 : i32
      %mul3A_1116 = arith.muli %scan3A_905, %mul3A_1115 : i32
      %add3A_1117 = arith.constant 3 : i32
      %add3A_1118 = arith.addi %mul3A_1116, %add3A_1117 : i32
      %swap3A_1119 = arith.index_cast %add3A_1118 : i32 to index
      %swap3A_1120 = arith.constant 96 : index
      %swap3A_1121 = tpu.vector_load %arg4[%swap3A_1119, %swap3A_1120] {strides = array<i32>} : memref<1000x128xf32, #tpu.memory_space<vmem>>, vector<16xf32>,
      tpu.vector_store %arg4[%swap3A_1119, %swap3A_1120], %broadcast_in_dim3A_3 {strides = array<i32>} : memref<1000x128xf32, #tpu.memory_space<vmem>>, vector<16xf32>,
      %mul3A_1122 = arith.constant 4 : i32
      %mul3A_1123 = arith.muli %scan3A_905, %mul3A_1122 : i32
      %add3A_1124 = arith.constant 3 : i32
      %add3A_1125 = arith.addi %mul3A_1123, %add3A_1124 : i32
      %swap3A_1126 = arith.index_cast %add3A_1125 : i32 to index
      %swap3A_1127 = arith.constant 112 : index
      %swap3A_1128 = tpu.vector_load %arg4[%swap3A_1126, %swap3A_1127] {strides = array<i32>} : memref<1000x128xf32, #tpu.memory_space<vmem>>, vector<16xf32>,
      tpu.vector_store %arg4[%swap3A_1126, %swap3A_1127], %broadcast_in_dim3A_3 {strides = array<i32>} : memref<1000x128xf32, #tpu.memory_space<vmem>>, vector<16xf32>,
    }
    %scan3A_119 = arith.constant 64 : i32
    %get3A_120 = arith.constant 0 : index
    %get3A_121 = tpu.vector_load %arg5[%get3A_120] {strides = array<i32>} : memref<512xi32, #tpu.memory_space<vmem>>, vector<16xi32>,
    %add3A_122 = arith.constant 0 : i32
    %add3A_123 = vector.broadcast %add3A_122 : i32 to vector<16xi32>
    %add3A_124 = arith.addi %add3A_123, %iota3A : vector<16xi32>
    %get3A_125 = arith.constant 16 : index
    %get3A_126 = tpu.vector_load %arg5[%get3A_125] {strides = array<i32>} : memref<512xi32, #tpu.memory_space<vmem>>, vector<16xi32>,
    %add3A_127 = arith.constant 16 : i32
    %add3A_128 = vector.broadcast %add3A_127 : i32 to vector<16xi32>
    %add3A_129 = arith.addi %add3A_128, %iota3A : vector<16xi32>
    %get3A_130 = arith.constant 32 : index
    %get3A_131 = tpu.vector_load %arg5[%get3A_130] {strides = array<i32>} : memref<512xi32, #tpu.memory_space<vmem>>, vector<16xi32>,
    %add3A_132 = arith.constant 32 : i32
    %add3A_133 = vector.broadcast %add3A_132 : i32 to vector<16xi32>
    %add3A_134 = arith.addi %add3A_133, %iota3A : vector<16xi32>
    %get3A_135 = arith.constant 48 : index
    %get3A_136 = tpu.vector_load %arg5[%get3A_135] {strides = array<i32>} : memref<512xi32, #tpu.memory_space<vmem>>, vector<16xi32>,
    %add3A_137 = arith.constant 48 : i32
    %add3A_138 = vector.broadcast %add3A_137 : i32 to vector<16xi32>
    %add3A_139 = arith.addi %add3A_138, %iota3A : vector<16xi32>
    %get3A_140 = arith.constant 64 : index
    %get3A_141 = tpu.vector_load %arg5[%get3A_140] {strides = array<i32>} : memref<512xi32, #tpu.memory_space<vmem>>, vector<16xi32>,
    %add3A_142 = arith.constant 64 : i32
    %add3A_143 = vector.broadcast %add3A_142 : i32 to vector<16xi32>
    %add3A_144 = arith.addi %add3A_143, %iota3A : vector<16xi32>
    %get3A_145 = arith.constant 80 : index
    %get3A_146 = tpu.vector_load %arg5[%get3A_145] {strides = array<i32>} : memref<512xi32, #tpu.memory_space<vmem>>, vector<16xi32>,
    %add3A_147 = arith.constant 80 : i32
    %add3A_148 = vector.broadcast %add3A_147 : i32 to vector<16xi32>
    %add3A_149 = arith.addi %add3A_148, %iota3A : vector<16xi32>
    %get3A_150 = arith.constant 96 : index
    %get3A_151 = tpu.vector_load %arg5[%get3A_150] {strides = array<i32>} : memref<512xi32, #tpu.memory_space<vmem>>, vector<16xi32>,
    %add3A_152 = arith.constant 96 : i32
    %add3A_153 = vector.broadcast %add3A_152 : i32 to vector<16xi32>
    %add3A_154 = arith.addi %add3A_153, %iota3A : vector<16xi32>
    %get3A_155 = arith.constant 112 : index
    %get3A_156 = tpu.vector_load %arg5[%get3A_155] {strides = array<i32>} : memref<512xi32, #tpu.memory_space<vmem>>, vector<16xi32>,
    %add3A_157 = arith.constant 112 : i32
    %add3A_158 = vector.broadcast %add3A_157 : i32 to vector<16xi32>
    %add3A_159 = arith.addi %add3A_158, %iota3A : vector<16xi32>
    %ge3A_160 = arith.constant 248 : i32
    %ge3A_161 = vector.broadcast %ge3A_160 : i32 to vector<16xi32>
    %ge3A_162 = arith.cmpi sge, %get3A_121, %ge3A_161 : vector<16xi32>
    %lt3A_163 = arith.constant 504 : i32
    %lt3A_164 = vector.broadcast %lt3A_163 : i32 to vector<16xi32>
    %lt3A_165 = arith.cmpi slt, %get3A_121, %lt3A_164 : vector<16xi32>
    %and3A_166 = arith.andi %ge3A_162, %lt3A_165 : vector<16xi1>
    tpu.vector_store_idx %arg4[%get3A_121, %add3A_124], %broadcast_in_dim3A_5 masked %and3A_166 : memref<1000x128xf32, #tpu.memory_space<vmem>>[vector<16xi32>, vector<16xi32>], vector<16xf32>, vector<16xi1>
    %ge3A_167 = arith.constant 248 : i32
    %ge3A_168 = vector.broadcast %ge3A_167 : i32 to vector<16xi32>
    %ge3A_169 = arith.cmpi sge, %get3A_126, %ge3A_168 : vector<16xi32>
    %lt3A_170 = arith.constant 504 : i32
    %lt3A_171 = vector.broadcast %lt3A_170 : i32 to vector<16xi32>
    %lt3A_172 = arith.cmpi slt, %get3A_126, %lt3A_171 : vector<16xi32>
    %and3A_173 = arith.andi %ge3A_169, %lt3A_172 : vector<16xi1>
    tpu.vector_store_idx %arg4[%get3A_126, %add3A_129], %broadcast_in_dim3A_5 masked %and3A_173 : memref<1000x128xf32, #tpu.memory_space<vmem>>[vector<16xi32>, vector<16xi32>], vector<16xf32>, vector<16xi1>
    %ge3A_174 = arith.constant 248 : i32
    %ge3A_175 = vector.broadcast %ge3A_174 : i32 to vector<16xi32>
    %ge3A_176 = arith.cmpi sge, %get3A_131, %ge3A_175 : vector<16xi32>
    %lt3A_177 = arith.constant 504 : i32
    %lt3A_178 = vector.broadcast %lt3A_177 : i32 to vector<16xi32>
    %lt3A_179 = arith.cmpi slt, %get3A_131, %lt3A_178 : vector<16xi32>
    %and3A_180 = arith.andi %ge3A_176, %lt3A_179 : vector<16xi1>
    tpu.vector_store_idx %arg4[%get3A_131, %add3A_134], %broadcast_in_dim3A_5 masked %and3A_180 : memref<1000x128xf32, #tpu.memory_space<vmem>>[vector<16xi32>, vector<16xi32>], vector<16xf32>, vector<16xi1>
    %ge3A_181 = arith.constant 248 : i32
    %ge3A_182 = vector.broadcast %ge3A_181 : i32 to vector<16xi32>
    %ge3A_183 = arith.cmpi sge, %get3A_136, %ge3A_182 : vector<16xi32>
    %lt3A_184 = arith.constant 504 : i32
    %lt3A_185 = vector.broadcast %lt3A_184 : i32 to vector<16xi32>
    %lt3A_186 = arith.cmpi slt, %get3A_136, %lt3A_185 : vector<16xi32>
    %and3A_187 = arith.andi %ge3A_183, %lt3A_186 : vector<16xi1>
    tpu.vector_store_idx %arg4[%get3A_136, %add3A_139], %broadcast_in_dim3A_5 masked %and3A_187 : memref<1000x128xf32, #tpu.memory_space<vmem>>[vector<16xi32>, vector<16xi32>], vector<16xf32>, vector<16xi1>
    %ge3A_188 = arith.constant 248 : i32
    %ge3A_189 = vector.broadcast %ge3A_188 : i32 to vector<16xi32>
    %ge3A_190 = arith.cmpi sge, %get3A_141, %ge3A_189 : vector<16xi32>
    %lt3A_191 = arith.constant 504 : i32
    %lt3A_192 = vector.broadcast %lt3A_191 : i32 to vector<16xi32>
    %lt3A_193 = arith.cmpi slt, %get3A_141, %lt3A_192 : vector<16xi32>
    %and3A_194 = arith.andi %ge3A_190, %lt3A_193 : vector<16xi1>
    tpu.vector_store_idx %arg4[%get3A_141, %add3A_144], %broadcast_in_dim3A_5 masked %and3A_194 : memref<1000x128xf32, #tpu.memory_space<vmem>>[vector<16xi32>, vector<16xi32>], vector<16xf32>, vector<16xi1>
    %ge3A_195 = arith.constant 248 : i32
    %ge3A_196 = vector.broadcast %ge3A_195 : i32 to vector<16xi32>
    %ge3A_197 = arith.cmpi sge, %get3A_146, %ge3A_196 : vector<16xi32>
    %lt3A_198 = arith.constant 504 : i32
    %lt3A_199 = vector.broadcast %lt3A_198 : i32 to vector<16xi32>
    %lt3A_200 = arith.cmpi slt, %get3A_146, %lt3A_199 : vector<16xi32>
    %and3A_201 = arith.andi %ge3A_197, %lt3A_200 : vector<16xi1>
    tpu.vector_store_idx %arg4[%get3A_146, %add3A_149], %broadcast_in_dim3A_5 masked %and3A_201 : memref<1000x128xf32, #tpu.memory_space<vmem>>[vector<16xi32>, vector<16xi32>], vector<16xf32>, vector<16xi1>
    %ge3A_202 = arith.constant 248 : i32
    %ge3A_203 = vector.broadcast %ge3A_202 : i32 to vector<16xi32>
    %ge3A_204 = arith.cmpi sge, %get3A_151, %ge3A_203 : vector<16xi32>
    %lt3A_205 = arith.constant 504 : i32
    %lt3A_206 = vector.broadcast %lt3A_205 : i32 to vector<16xi32>
    %lt3A_207 = arith.cmpi slt, %get3A_151, %lt3A_206 : vector<16xi32>
    %and3A_208 = arith.andi %ge3A_204, %lt3A_207 : vector<16xi1>
    tpu.vector_store_idx %arg4[%get3A_151, %add3A_154], %broadcast_in_dim3A_5 masked %and3A_208 : memref<1000x128xf32, #tpu.memory_space<vmem>>[vector<16xi32>, vector<16xi32>], vector<16xf32>, vector<16xi1>
    %ge3A_209 = arith.constant 248 : i32
    %ge3A_210 = vector.broadcast %ge3A_209 : i32 to vector<16xi32>
    %ge3A_211 = arith.cmpi sge, %get3A_156, %ge3A_210 : vector<16xi32>
    %lt3A_212 = arith.constant 504 : i32
    %lt3A_213 = vector.broadcast %lt3A_212 : i32 to vector<16xi32>
    %lt3A_214 = arith.cmpi slt, %get3A_156, %lt3A_213 : vector<16xi32>
    %and3A_215 = arith.andi %ge3A_211, %lt3A_214 : vector<16xi1>
    tpu.vector_store_idx %arg4[%get3A_156, %add3A_159], %broadcast_in_dim3A_5 masked %and3A_215 : memref<1000x128xf32, #tpu.memory_space<vmem>>[vector<16xi32>, vector<16xi32>], vector<16xf32>, vector<16xi1>
    %add3A_216 = arith.constant 0 : i32
    %add3A_217 = arith.addi %mul3A_2, %add3A_216 : i32
    %dma_start3A_218 = arith.constant 248 : i32
    %dma_start3A_219 = arith.constant 0 : i32
    %dma_start3A_220 = tpu.memref_slice %arg4[%dma_start3A_218, %dma_start3A_219] : memref<1000x128xf32, #tpu.memory_space<vmem>> -> memref<256x128xf32, #tpu.memory_space<vmem>>
    %dma_start3A_221 = arith.constant 248 : i32
    %dma_start3A_222 = tpu.memref_slice %arg3[%dma_start3A_221, %add3A_217] : memref<1000x16384xf32, #tpu.memory_space<hbm>> -> memref<256x128xf32, #tpu.memory_space<hbm>>
    %dma_start3A_223 = arith.constant 248 : i32
    %dma_start3A_224 = tpu.memref_slice %arg3[%dma_start3A_223, %add3A_217] : memref<1000x16384xf32, #tpu.memory_space<hbm>> -> memref<256x128xf32, #tpu.memory_space<hbm>>
    %dma_start3A_225 = arith.constant 248 : i32
    %dma_start3A_226 = arith.constant 0 : i32
    %dma_start3A_227 = tpu.memref_slice %arg4[%dma_start3A_225, %dma_start3A_226] : memref<1000x128xf32, #tpu.memory_space<vmem>> -> memref<256x128xf32, #tpu.memory_space<vmem>>
    tpu.enqueue_dma source(%dma_start3A_227 : memref<256x128xf32, #tpu.memory_space<vmem>>) target(%dma_start3A_224 : memref<256x128xf32, #tpu.memory_space<hbm>>) target_semaphore(%arg7 : memref<!tpu.dma_semaphore, #tpu.memory_space<semaphore_mem>>)
    %scan3A_228 = arith.constant 0 : i32
    %scan3A_229 = arith.constant 126 : i32
    %scan3A_230 = arith.constant 124 : i32
    %scan3A_231 = arith.addi %scan3A_229, %scan3A_230 : i32
    %scan3A_232 = arith.constant 1 : i32
    scf.for %scan3A_905 = %scan3A_229 to %scan3A_231 step %scan3A_232  : i32 {
      %mul3A_906 = arith.constant 4 : i32
      %mul3A_907 = arith.muli %scan3A_905, %mul3A_906 : i32
      %add3A_908 = arith.constant 0 : i32
      %add3A_909 = arith.addi %mul3A_907, %add3A_908 : i32
      %swap3A = arith.index_cast %add3A_909 : i32 to index
      %swap3A_910 = arith.constant 0 : index
      %swap3A_911 = tpu.vector_load %arg4[%swap3A, %swap3A_910] {strides = array<i32>} : memref<1000x128xf32, #tpu.memory_space<vmem>>, vector<16xf32>,
      tpu.vector_store %arg4[%swap3A, %swap3A_910], %broadcast_in_dim3A_3 {strides = array<i32>} : memref<1000x128xf32, #tpu.memory_space<vmem>>, vector<16xf32>,
      %mul3A_912 = arith.constant 4 : i32
      %mul3A_913 = arith.muli %scan3A_905, %mul3A_912 : i32
      %add3A_914 = arith.constant 0 : i32
      %add3A_915 = arith.addi %mul3A_913, %add3A_914 : i32
      %swap3A_916 = arith.index_cast %add3A_915 : i32 to index
      %swap3A_917 = arith.constant 16 : index
      %swap3A_918 = tpu.vector_load %arg4[%swap3A_916, %swap3A_917] {strides = array<i32>} : memref<1000x128xf32, #tpu.memory_space<vmem>>, vector<16xf32>,
      tpu.vector_store %arg4[%swap3A_916, %swap3A_917], %broadcast_in_dim3A_3 {strides = array<i32>} : memref<1000x128xf32, #tpu.memory_space<vmem>>, vector<16xf32>,
      %mul3A_919 = arith.constant 4 : i32
      %mul3A_920 = arith.muli %scan3A_905, %mul3A_919 : i32
      %add3A_921 = arith.constant 0 : i32
      %add3A_922 = arith.addi %mul3A_920, %add3A_921 : i32
      %swap3A_923 = arith.index_cast %add3A_922 : i32 to index
      %swap3A_924 = arith.constant 32 : index
      %swap3A_925 = tpu.vector_load %arg4[%swap3A_923, %swap3A_924] {strides = array<i32>} : memref<1000x128xf32, #tpu.memory_space<vmem>>, vector<16xf32>,
      tpu.vector_store %arg4[%swap3A_923, %swap3A_924], %broadcast_in_dim3A_3 {strides = array<i32>} : memref<1000x128xf32, #tpu.memory_space<vmem>>, vector<16xf32>,
      %mul3A_926 = arith.constant 4 : i32
      %mul3A_927 = arith.muli %scan3A_905, %mul3A_926 : i32
      %add3A_928 = arith.constant 0 : i32
      %add3A_929 = arith.addi %mul3A_927, %add3A_928 : i32
      %swap3A_930 = arith.index_cast %add3A_929 : i32 to index
      %swap3A_931 = arith.constant 48 : index
      %swap3A_932 = tpu.vector_load %arg4[%swap3A_930, %swap3A_931] {strides = array<i32>} : memref<1000x128xf32, #tpu.memory_space<vmem>>, vector<16xf32>,
      tpu.vector_store %arg4[%swap3A_930, %swap3A_931], %broadcast_in_dim3A_3 {strides = array<i32>} : memref<1000x128xf32, #tpu.memory_space<vmem>>, vector<16xf32>,
      %mul3A_933 = arith.constant 4 : i32
      %mul3A_934 = arith.muli %scan3A_905, %mul3A_933 : i32
      %add3A_935 = arith.constant 0 : i32
      %add3A_936 = arith.addi %mul3A_934, %add3A_935 : i32
      %swap3A_937 = arith.index_cast %add3A_936 : i32 to index
      %swap3A_938 = arith.constant 64 : index
      %swap3A_939 = tpu.vector_load %arg4[%swap3A_937, %swap3A_938] {strides = array<i32>} : memref<1000x128xf32, #tpu.memory_space<vmem>>, vector<16xf32>,
      tpu.vector_store %arg4[%swap3A_937, %swap3A_938], %broadcast_in_dim3A_3 {strides = array<i32>} : memref<1000x128xf32, #tpu.memory_space<vmem>>, vector<16xf32>,
      %mul3A_940 = arith.constant 4 : i32
      %mul3A_941 = arith.muli %scan3A_905, %mul3A_940 : i32
      %add3A_942 = arith.constant 0 : i32
      %add3A_943 = arith.addi %mul3A_941, %add3A_942 : i32
      %swap3A_944 = arith.index_cast %add3A_943 : i32 to index
      %swap3A_945 = arith.constant 80 : index
      %swap3A_946 = tpu.vector_load %arg4[%swap3A_944, %swap3A_945] {strides = array<i32>} : memref<1000x128xf32, #tpu.memory_space<vmem>>, vector<16xf32>,
      tpu.vector_store %arg4[%swap3A_944, %swap3A_945], %broadcast_in_dim3A_3 {strides = array<i32>} : memref<1000x128xf32, #tpu.memory_space<vmem>>, vector<16xf32>,
      %mul3A_947 = arith.constant 4 : i32
      %mul3A_948 = arith.muli %scan3A_905, %mul3A_947 : i32
      %add3A_949 = arith.constant 0 : i32
      %add3A_950 = arith.addi %mul3A_948, %add3A_949 : i32
      %swap3A_951 = arith.index_cast %add3A_950 : i32 to index
      %swap3A_952 = arith.constant 96 : index
      %swap3A_953 = tpu.vector_load %arg4[%swap3A_951, %swap3A_952] {strides = array<i32>} : memref<1000x128xf32, #tpu.memory_space<vmem>>, vector<16xf32>,
      tpu.vector_store %arg4[%swap3A_951, %swap3A_952], %broadcast_in_dim3A_3 {strides = array<i32>} : memref<1000x128xf32, #tpu.memory_space<vmem>>, vector<16xf32>,
      %mul3A_954 = arith.constant 4 : i32
      %mul3A_955 = arith.muli %scan3A_905, %mul3A_954 : i32
      %add3A_956 = arith.constant 0 : i32
      %add3A_957 = arith.addi %mul3A_955, %add3A_956 : i32
      %swap3A_958 = arith.index_cast %add3A_957 : i32 to index
      %swap3A_959 = arith.constant 112 : index
      %swap3A_960 = tpu.vector_load %arg4[%swap3A_958, %swap3A_959] {strides = array<i32>} : memref<1000x128xf32, #tpu.memory_space<vmem>>, vector<16xf32>,
      tpu.vector_store %arg4[%swap3A_958, %swap3A_959], %broadcast_in_dim3A_3 {strides = array<i32>} : memref<1000x128xf32, #tpu.memory_space<vmem>>, vector<16xf32>,
      %mul3A_961 = arith.constant 4 : i32
      %mul3A_962 = arith.muli %scan3A_905, %mul3A_961 : i32
      %add3A_963 = arith.constant 1 : i32
      %add3A_964 = arith.addi %mul3A_962, %add3A_963 : i32
      %swap3A_965 = arith.index_cast %add3A_964 : i32 to index
      %swap3A_966 = arith.constant 0 : index
      %swap3A_967 = tpu.vector_load %arg4[%swap3A_965, %swap3A_966] {strides = array<i32>} : memref<1000x128xf32, #tpu.memory_space<vmem>>, vector<16xf32>,
      tpu.vector_store %arg4[%swap3A_965, %swap3A_966], %broadcast_in_dim3A_3 {strides = array<i32>} : memref<1000x128xf32, #tpu.memory_space<vmem>>, vector<16xf32>,
      %mul3A_968 = arith.constant 4 : i32
      %mul3A_969 = arith.muli %scan3A_905, %mul3A_968 : i32
      %add3A_970 = arith.constant 1 : i32
      %add3A_971 = arith.addi %mul3A_969, %add3A_970 : i32
      %swap3A_972 = arith.index_cast %add3A_971 : i32 to index
      %swap3A_973 = arith.constant 16 : index
      %swap3A_974 = tpu.vector_load %arg4[%swap3A_972, %swap3A_973] {strides = array<i32>} : memref<1000x128xf32, #tpu.memory_space<vmem>>, vector<16xf32>,
      tpu.vector_store %arg4[%swap3A_972, %swap3A_973], %broadcast_in_dim3A_3 {strides = array<i32>} : memref<1000x128xf32, #tpu.memory_space<vmem>>, vector<16xf32>,
      %mul3A_975 = arith.constant 4 : i32
      %mul3A_976 = arith.muli %scan3A_905, %mul3A_975 : i32
      %add3A_977 = arith.constant 1 : i32
      %add3A_978 = arith.addi %mul3A_976, %add3A_977 : i32
      %swap3A_979 = arith.index_cast %add3A_978 : i32 to index
      %swap3A_980 = arith.constant 32 : index
      %swap3A_981 = tpu.vector_load %arg4[%swap3A_979, %swap3A_980] {strides = array<i32>} : memref<1000x128xf32, #tpu.memory_space<vmem>>, vector<16xf32>,
      tpu.vector_store %arg4[%swap3A_979, %swap3A_980], %broadcast_in_dim3A_3 {strides = array<i32>} : memref<1000x128xf32, #tpu.memory_space<vmem>>, vector<16xf32>,
      %mul3A_982 = arith.constant 4 : i32
      %mul3A_983 = arith.muli %scan3A_905, %mul3A_982 : i32
      %add3A_984 = arith.constant 1 : i32
      %add3A_985 = arith.addi %mul3A_983, %add3A_984 : i32
      %swap3A_986 = arith.index_cast %add3A_985 : i32 to index
      %swap3A_987 = arith.constant 48 : index
      %swap3A_988 = tpu.vector_load %arg4[%swap3A_986, %swap3A_987] {strides = array<i32>} : memref<1000x128xf32, #tpu.memory_space<vmem>>, vector<16xf32>,
      tpu.vector_store %arg4[%swap3A_986, %swap3A_987], %broadcast_in_dim3A_3 {strides = array<i32>} : memref<1000x128xf32, #tpu.memory_space<vmem>>, vector<16xf32>,
      %mul3A_989 = arith.constant 4 : i32
      %mul3A_990 = arith.muli %scan3A_905, %mul3A_989 : i32
      %add3A_991 = arith.constant 1 : i32
      %add3A_992 = arith.addi %mul3A_990, %add3A_991 : i32
      %swap3A_993 = arith.index_cast %add3A_992 : i32 to index
      %swap3A_994 = arith.constant 64 : index
      %swap3A_995 = tpu.vector_load %arg4[%swap3A_993, %swap3A_994] {strides = array<i32>} : memref<1000x128xf32, #tpu.memory_space<vmem>>, vector<16xf32>,
      tpu.vector_store %arg4[%swap3A_993, %swap3A_994], %broadcast_in_dim3A_3 {strides = array<i32>} : memref<1000x128xf32, #tpu.memory_space<vmem>>, vector<16xf32>,
      %mul3A_996 = arith.constant 4 : i32
      %mul3A_997 = arith.muli %scan3A_905, %mul3A_996 : i32
      %add3A_998 = arith.constant 1 : i32
      %add3A_999 = arith.addi %mul3A_997, %add3A_998 : i32
      %swap3A_1000 = arith.index_cast %add3A_999 : i32 to index
      %swap3A_1001 = arith.constant 80 : index
      %swap3A_1002 = tpu.vector_load %arg4[%swap3A_1000, %swap3A_1001] {strides = array<i32>} : memref<1000x128xf32, #tpu.memory_space<vmem>>, vector<16xf32>,
      tpu.vector_store %arg4[%swap3A_1000, %swap3A_1001], %broadcast_in_dim3A_3 {strides = array<i32>} : memref<1000x128xf32, #tpu.memory_space<vmem>>, vector<16xf32>,
      %mul3A_1003 = arith.constant 4 : i32
      %mul3A_1004 = arith.muli %scan3A_905, %mul3A_1003 : i32
      %add3A_1005 = arith.constant 1 : i32
      %add3A_1006 = arith.addi %mul3A_1004, %add3A_1005 : i32
      %swap3A_1007 = arith.index_cast %add3A_1006 : i32 to index
      %swap3A_1008 = arith.constant 96 : index
      %swap3A_1009 = tpu.vector_load %arg4[%swap3A_1007, %swap3A_1008] {strides = array<i32>} : memref<1000x128xf32, #tpu.memory_space<vmem>>, vector<16xf32>,
      tpu.vector_store %arg4[%swap3A_1007, %swap3A_1008], %broadcast_in_dim3A_3 {strides = array<i32>} : memref<1000x128xf32, #tpu.memory_space<vmem>>, vector<16xf32>,
      %mul3A_1010 = arith.constant 4 : i32
      %mul3A_1011 = arith.muli %scan3A_905, %mul3A_1010 : i32
      %add3A_1012 = arith.constant 1 : i32
      %add3A_1013 = arith.addi %mul3A_1011, %add3A_1012 : i32
      %swap3A_1014 = arith.index_cast %add3A_1013 : i32 to index
      %swap3A_1015 = arith.constant 112 : index
      %swap3A_1016 = tpu.vector_load %arg4[%swap3A_1014, %swap3A_1015] {strides = array<i32>} : memref<1000x128xf32, #tpu.memory_space<vmem>>, vector<16xf32>,
      tpu.vector_store %arg4[%swap3A_1014, %swap3A_1015], %broadcast_in_dim3A_3 {strides = array<i32>} : memref<1000x128xf32, #tpu.memory_space<vmem>>, vector<16xf32>,
      %mul3A_1017 = arith.constant 4 : i32
      %mul3A_1018 = arith.muli %scan3A_905, %mul3A_1017 : i32
      %add3A_1019 = arith.constant 2 : i32
      %add3A_1020 = arith.addi %mul3A_1018, %add3A_1019 : i32
      %swap3A_1021 = arith.index_cast %add3A_1020 : i32 to index
      %swap3A_1022 = arith.constant 0 : index
      %swap3A_1023 = tpu.vector_load %arg4[%swap3A_1021, %swap3A_1022] {strides = array<i32>} : memref<1000x128xf32, #tpu.memory_space<vmem>>, vector<16xf32>,
      tpu.vector_store %arg4[%swap3A_1021, %swap3A_1022], %broadcast_in_dim3A_3 {strides = array<i32>} : memref<1000x128xf32, #tpu.memory_space<vmem>>, vector<16xf32>,
      %mul3A_1024 = arith.constant 4 : i32
      %mul3A_1025 = arith.muli %scan3A_905, %mul3A_1024 : i32
      %add3A_1026 = arith.constant 2 : i32
      %add3A_1027 = arith.addi %mul3A_1025, %add3A_1026 : i32
      %swap3A_1028 = arith.index_cast %add3A_1027 : i32 to index
      %swap3A_1029 = arith.constant 16 : index
      %swap3A_1030 = tpu.vector_load %arg4[%swap3A_1028, %swap3A_1029] {strides = array<i32>} : memref<1000x128xf32, #tpu.memory_space<vmem>>, vector<16xf32>,
      tpu.vector_store %arg4[%swap3A_1028, %swap3A_1029], %broadcast_in_dim3A_3 {strides = array<i32>} : memref<1000x128xf32, #tpu.memory_space<vmem>>, vector<16xf32>,
      %mul3A_1031 = arith.constant 4 : i32
      %mul3A_1032 = arith.muli %scan3A_905, %mul3A_1031 : i32
      %add3A_1033 = arith.constant 2 : i32
      %add3A_1034 = arith.addi %mul3A_1032, %add3A_1033 : i32
      %swap3A_1035 = arith.index_cast %add3A_1034 : i32 to index
      %swap3A_1036 = arith.constant 32 : index
      %swap3A_1037 = tpu.vector_load %arg4[%swap3A_1035, %swap3A_1036] {strides = array<i32>} : memref<1000x128xf32, #tpu.memory_space<vmem>>, vector<16xf32>,
      tpu.vector_store %arg4[%swap3A_1035, %swap3A_1036], %broadcast_in_dim3A_3 {strides = array<i32>} : memref<1000x128xf32, #tpu.memory_space<vmem>>, vector<16xf32>,
      %mul3A_1038 = arith.constant 4 : i32
      %mul3A_1039 = arith.muli %scan3A_905, %mul3A_1038 : i32
      %add3A_1040 = arith.constant 2 : i32
      %add3A_1041 = arith.addi %mul3A_1039, %add3A_1040 : i32
      %swap3A_1042 = arith.index_cast %add3A_1041 : i32 to index
      %swap3A_1043 = arith.constant 48 : index
      %swap3A_1044 = tpu.vector_load %arg4[%swap3A_1042, %swap3A_1043] {strides = array<i32>} : memref<1000x128xf32, #tpu.memory_space<vmem>>, vector<16xf32>,
      tpu.vector_store %arg4[%swap3A_1042, %swap3A_1043], %broadcast_in_dim3A_3 {strides = array<i32>} : memref<1000x128xf32, #tpu.memory_space<vmem>>, vector<16xf32>,
      %mul3A_1045 = arith.constant 4 : i32
      %mul3A_1046 = arith.muli %scan3A_905, %mul3A_1045 : i32
      %add3A_1047 = arith.constant 2 : i32
      %add3A_1048 = arith.addi %mul3A_1046, %add3A_1047 : i32
      %swap3A_1049 = arith.index_cast %add3A_1048 : i32 to index
      %swap3A_1050 = arith.constant 64 : index
      %swap3A_1051 = tpu.vector_load %arg4[%swap3A_1049, %swap3A_1050] {strides = array<i32>} : memref<1000x128xf32, #tpu.memory_space<vmem>>, vector<16xf32>,
      tpu.vector_store %arg4[%swap3A_1049, %swap3A_1050], %broadcast_in_dim3A_3 {strides = array<i32>} : memref<1000x128xf32, #tpu.memory_space<vmem>>, vector<16xf32>,
      %mul3A_1052 = arith.constant 4 : i32
      %mul3A_1053 = arith.muli %scan3A_905, %mul3A_1052 : i32
      %add3A_1054 = arith.constant 2 : i32
      %add3A_1055 = arith.addi %mul3A_1053, %add3A_1054 : i32
      %swap3A_1056 = arith.index_cast %add3A_1055 : i32 to index
      %swap3A_1057 = arith.constant 80 : index
      %swap3A_1058 = tpu.vector_load %arg4[%swap3A_1056, %swap3A_1057] {strides = array<i32>} : memref<1000x128xf32, #tpu.memory_space<vmem>>, vector<16xf32>,
      tpu.vector_store %arg4[%swap3A_1056, %swap3A_1057], %broadcast_in_dim3A_3 {strides = array<i32>} : memref<1000x128xf32, #tpu.memory_space<vmem>>, vector<16xf32>,
      %mul3A_1059 = arith.constant 4 : i32
      %mul3A_1060 = arith.muli %scan3A_905, %mul3A_1059 : i32
      %add3A_1061 = arith.constant 2 : i32
      %add3A_1062 = arith.addi %mul3A_1060, %add3A_1061 : i32
      %swap3A_1063 = arith.index_cast %add3A_1062 : i32 to index
      %swap3A_1064 = arith.constant 96 : index
      %swap3A_1065 = tpu.vector_load %arg4[%swap3A_1063, %swap3A_1064] {strides = array<i32>} : memref<1000x128xf32, #tpu.memory_space<vmem>>, vector<16xf32>,
      tpu.vector_store %arg4[%swap3A_1063, %swap3A_1064], %broadcast_in_dim3A_3 {strides = array<i32>} : memref<1000x128xf32, #tpu.memory_space<vmem>>, vector<16xf32>,
      %mul3A_1066 = arith.constant 4 : i32
      %mul3A_1067 = arith.muli %scan3A_905, %mul3A_1066 : i32
      %add3A_1068 = arith.constant 2 : i32
      %add3A_1069 = arith.addi %mul3A_1067, %add3A_1068 : i32
      %swap3A_1070 = arith.index_cast %add3A_1069 : i32 to index
      %swap3A_1071 = arith.constant 112 : index
      %swap3A_1072 = tpu.vector_load %arg4[%swap3A_1070, %swap3A_1071] {strides = array<i32>} : memref<1000x128xf32, #tpu.memory_space<vmem>>, vector<16xf32>,
      tpu.vector_store %arg4[%swap3A_1070, %swap3A_1071], %broadcast_in_dim3A_3 {strides = array<i32>} : memref<1000x128xf32, #tpu.memory_space<vmem>>, vector<16xf32>,
      %mul3A_1073 = arith.constant 4 : i32
      %mul3A_1074 = arith.muli %scan3A_905, %mul3A_1073 : i32
      %add3A_1075 = arith.constant 3 : i32
      %add3A_1076 = arith.addi %mul3A_1074, %add3A_1075 : i32
      %swap3A_1077 = arith.index_cast %add3A_1076 : i32 to index
      %swap3A_1078 = arith.constant 0 : index
      %swap3A_1079 = tpu.vector_load %arg4[%swap3A_1077, %swap3A_1078] {strides = array<i32>} : memref<1000x128xf32, #tpu.memory_space<vmem>>, vector<16xf32>,
      tpu.vector_store %arg4[%swap3A_1077, %swap3A_1078], %broadcast_in_dim3A_3 {strides = array<i32>} : memref<1000x128xf32, #tpu.memory_space<vmem>>, vector<16xf32>,
      %mul3A_1080 = arith.constant 4 : i32
      %mul3A_1081 = arith.muli %scan3A_905, %mul3A_1080 : i32
      %add3A_1082 = arith.constant 3 : i32
      %add3A_1083 = arith.addi %mul3A_1081, %add3A_1082 : i32
      %swap3A_1084 = arith.index_cast %add3A_1083 : i32 to index
      %swap3A_1085 = arith.constant 16 : index
      %swap3A_1086 = tpu.vector_load %arg4[%swap3A_1084, %swap3A_1085] {strides = array<i32>} : memref<1000x128xf32, #tpu.memory_space<vmem>>, vector<16xf32>,
      tpu.vector_store %arg4[%swap3A_1084, %swap3A_1085], %broadcast_in_dim3A_3 {strides = array<i32>} : memref<1000x128xf32, #tpu.memory_space<vmem>>, vector<16xf32>,
      %mul3A_1087 = arith.constant 4 : i32
      %mul3A_1088 = arith.muli %scan3A_905, %mul3A_1087 : i32
      %add3A_1089 = arith.constant 3 : i32
      %add3A_1090 = arith.addi %mul3A_1088, %add3A_1089 : i32
      %swap3A_1091 = arith.index_cast %add3A_1090 : i32 to index
      %swap3A_1092 = arith.constant 32 : index
      %swap3A_1093 = tpu.vector_load %arg4[%swap3A_1091, %swap3A_1092] {strides = array<i32>} : memref<1000x128xf32, #tpu.memory_space<vmem>>, vector<16xf32>,
      tpu.vector_store %arg4[%swap3A_1091, %swap3A_1092], %broadcast_in_dim3A_3 {strides = array<i32>} : memref<1000x128xf32, #tpu.memory_space<vmem>>, vector<16xf32>,
      %mul3A_1094 = arith.constant 4 : i32
      %mul3A_1095 = arith.muli %scan3A_905, %mul3A_1094 : i32
      %add3A_1096 = arith.constant 3 : i32
      %add3A_1097 = arith.addi %mul3A_1095, %add3A_1096 : i32
      %swap3A_1098 = arith.index_cast %add3A_1097 : i32 to index
      %swap3A_1099 = arith.constant 48 : index
      %swap3A_1100 = tpu.vector_load %arg4[%swap3A_1098, %swap3A_1099] {strides = array<i32>} : memref<1000x128xf32, #tpu.memory_space<vmem>>, vector<16xf32>,
      tpu.vector_store %arg4[%swap3A_1098, %swap3A_1099], %broadcast_in_dim3A_3 {strides = array<i32>} : memref<1000x128xf32, #tpu.memory_space<vmem>>, vector<16xf32>,
      %mul3A_1101 = arith.constant 4 : i32
      %mul3A_1102 = arith.muli %scan3A_905, %mul3A_1101 : i32
      %add3A_1103 = arith.constant 3 : i32
      %add3A_1104 = arith.addi %mul3A_1102, %add3A_1103 : i32
      %swap3A_1105 = arith.index_cast %add3A_1104 : i32 to index
      %swap3A_1106 = arith.constant 64 : index
      %swap3A_1107 = tpu.vector_load %arg4[%swap3A_1105, %swap3A_1106] {strides = array<i32>} : memref<1000x128xf32, #tpu.memory_space<vmem>>, vector<16xf32>,
      tpu.vector_store %arg4[%swap3A_1105, %swap3A_1106], %broadcast_in_dim3A_3 {strides = array<i32>} : memref<1000x128xf32, #tpu.memory_space<vmem>>, vector<16xf32>,
      %mul3A_1108 = arith.constant 4 : i32
      %mul3A_1109 = arith.muli %scan3A_905, %mul3A_1108 : i32
      %add3A_1110 = arith.constant 3 : i32
      %add3A_1111 = arith.addi %mul3A_1109, %add3A_1110 : i32
      %swap3A_1112 = arith.index_cast %add3A_1111 : i32 to index
      %swap3A_1113 = arith.constant 80 : index
      %swap3A_1114 = tpu.vector_load %arg4[%swap3A_1112, %swap3A_1113] {strides = array<i32>} : memref<1000x128xf32, #tpu.memory_space<vmem>>, vector<16xf32>,
      tpu.vector_store %arg4[%swap3A_1112, %swap3A_1113], %broadcast_in_dim3A_3 {strides = array<i32>} : memref<1000x128xf32, #tpu.memory_space<vmem>>, vector<16xf32>,
      %mul3A_1115 = arith.constant 4 : i32
      %mul3A_1116 = arith.muli %scan3A_905, %mul3A_1115 : i32
      %add3A_1117 = arith.constant 3 : i32
      %add3A_1118 = arith.addi %mul3A_1116, %add3A_1117 : i32
      %swap3A_1119 = arith.index_cast %add3A_1118 : i32 to index
      %swap3A_1120 = arith.constant 96 : index
      %swap3A_1121 = tpu.vector_load %arg4[%swap3A_1119, %swap3A_1120] {strides = array<i32>} : memref<1000x128xf32, #tpu.memory_space<vmem>>, vector<16xf32>,
      tpu.vector_store %arg4[%swap3A_1119, %swap3A_1120], %broadcast_in_dim3A_3 {strides = array<i32>} : memref<1000x128xf32, #tpu.memory_space<vmem>>, vector<16xf32>,
      %mul3A_1122 = arith.constant 4 : i32
      %mul3A_1123 = arith.muli %scan3A_905, %mul3A_1122 : i32
      %add3A_1124 = arith.constant 3 : i32
      %add3A_1125 = arith.addi %mul3A_1123, %add3A_1124 : i32
      %swap3A_1126 = arith.index_cast %add3A_1125 : i32 to index
      %swap3A_1127 = arith.constant 112 : index
      %swap3A_1128 = tpu.vector_load %arg4[%swap3A_1126, %swap3A_1127] {strides = array<i32>} : memref<1000x128xf32, #tpu.memory_space<vmem>>, vector<16xf32>,
      tpu.vector_store %arg4[%swap3A_1126, %swap3A_1127], %broadcast_in_dim3A_3 {strides = array<i32>} : memref<1000x128xf32, #tpu.memory_space<vmem>>, vector<16xf32>,
    }
    %scan3A_233 = arith.constant 124 : i32
    %get3A_234 = arith.constant 0 : index
    %get3A_235 = tpu.vector_load %arg5[%get3A_234] {strides = array<i32>} : memref<512xi32, #tpu.memory_space<vmem>>, vector<16xi32>,
    %add3A_236 = arith.constant 0 : i32
    %add3A_237 = vector.broadcast %add3A_236 : i32 to vector<16xi32>
    %add3A_238 = arith.addi %add3A_237, %iota3A : vector<16xi32>
    %get3A_239 = arith.constant 16 : index
    %get3A_240 = tpu.vector_load %arg5[%get3A_239] {strides = array<i32>} : memref<512xi32, #tpu.memory_space<vmem>>, vector<16xi32>,
    %add3A_241 = arith.constant 16 : i32
    %add3A_242 = vector.broadcast %add3A_241 : i32 to vector<16xi32>
    %add3A_243 = arith.addi %add3A_242, %iota3A : vector<16xi32>
    %get3A_244 = arith.constant 32 : index
    %get3A_245 = tpu.vector_load %arg5[%get3A_244] {strides = array<i32>} : memref<512xi32, #tpu.memory_space<vmem>>, vector<16xi32>,
    %add3A_246 = arith.constant 32 : i32
    %add3A_247 = vector.broadcast %add3A_246 : i32 to vector<16xi32>
    %add3A_248 = arith.addi %add3A_247, %iota3A : vector<16xi32>
    %get3A_249 = arith.constant 48 : index
    %get3A_250 = tpu.vector_load %arg5[%get3A_249] {strides = array<i32>} : memref<512xi32, #tpu.memory_space<vmem>>, vector<16xi32>,
    %add3A_251 = arith.constant 48 : i32
    %add3A_252 = vector.broadcast %add3A_251 : i32 to vector<16xi32>
    %add3A_253 = arith.addi %add3A_252, %iota3A : vector<16xi32>
    %get3A_254 = arith.constant 64 : index
    %get3A_255 = tpu.vector_load %arg5[%get3A_254] {strides = array<i32>} : memref<512xi32, #tpu.memory_space<vmem>>, vector<16xi32>,
    %add3A_256 = arith.constant 64 : i32
    %add3A_257 = vector.broadcast %add3A_256 : i32 to vector<16xi32>
    %add3A_258 = arith.addi %add3A_257, %iota3A : vector<16xi32>
    %get3A_259 = arith.constant 80 : index
    %get3A_260 = tpu.vector_load %arg5[%get3A_259] {strides = array<i32>} : memref<512xi32, #tpu.memory_space<vmem>>, vector<16xi32>,
    %add3A_261 = arith.constant 80 : i32
    %add3A_262 = vector.broadcast %add3A_261 : i32 to vector<16xi32>
    %add3A_263 = arith.addi %add3A_262, %iota3A : vector<16xi32>
    %get3A_264 = arith.constant 96 : index
    %get3A_265 = tpu.vector_load %arg5[%get3A_264] {strides = array<i32>} : memref<512xi32, #tpu.memory_space<vmem>>, vector<16xi32>,
    %add3A_266 = arith.constant 96 : i32
    %add3A_267 = vector.broadcast %add3A_266 : i32 to vector<16xi32>
    %add3A_268 = arith.addi %add3A_267, %iota3A : vector<16xi32>
    %get3A_269 = arith.constant 112 : index
    %get3A_270 = tpu.vector_load %arg5[%get3A_269] {strides = array<i32>} : memref<512xi32, #tpu.memory_space<vmem>>, vector<16xi32>,
    %add3A_271 = arith.constant 112 : i32
    %add3A_272 = vector.broadcast %add3A_271 : i32 to vector<16xi32>
    %add3A_273 = arith.addi %add3A_272, %iota3A : vector<16xi32>
    %ge3A_274 = arith.constant 504 : i32
    %ge3A_275 = vector.broadcast %ge3A_274 : i32 to vector<16xi32>
    %ge3A_276 = arith.cmpi sge, %get3A_235, %ge3A_275 : vector<16xi32>
    %lt3A_277 = arith.constant 1000 : i32
    %lt3A_278 = vector.broadcast %lt3A_277 : i32 to vector<16xi32>
    %lt3A_279 = arith.cmpi slt, %get3A_235, %lt3A_278 : vector<16xi32>
    %and3A_280 = arith.andi %ge3A_276, %lt3A_279 : vector<16xi1>
    tpu.vector_store_idx %arg4[%get3A_235, %add3A_238], %broadcast_in_dim3A_5 masked %and3A_280 : memref<1000x128xf32, #tpu.memory_space<vmem>>[vector<16xi32>, vector<16xi32>], vector<16xf32>, vector<16xi1>
    %ge3A_281 = arith.constant 504 : i32
    %ge3A_282 = vector.broadcast %ge3A_281 : i32 to vector<16xi32>
    %ge3A_283 = arith.cmpi sge, %get3A_240, %ge3A_282 : vector<16xi32>
    %lt3A_284 = arith.constant 1000 : i32
    %lt3A_285 = vector.broadcast %lt3A_284 : i32 to vector<16xi32>
    %lt3A_286 = arith.cmpi slt, %get3A_240, %lt3A_285 : vector<16xi32>
    %and3A_287 = arith.andi %ge3A_283, %lt3A_286 : vector<16xi1>
    tpu.vector_store_idx %arg4[%get3A_240, %add3A_243], %broadcast_in_dim3A_5 masked %and3A_287 : memref<1000x128xf32, #tpu.memory_space<vmem>>[vector<16xi32>, vector<16xi32>], vector<16xf32>, vector<16xi1>
    %ge3A_288 = arith.constant 504 : i32
    %ge3A_289 = vector.broadcast %ge3A_288 : i32 to vector<16xi32>
    %ge3A_290 = arith.cmpi sge, %get3A_245, %ge3A_289 : vector<16xi32>
    %lt3A_291 = arith.constant 1000 : i32
    %lt3A_292 = vector.broadcast %lt3A_291 : i32 to vector<16xi32>
    %lt3A_293 = arith.cmpi slt, %get3A_245, %lt3A_292 : vector<16xi32>
    %and3A_294 = arith.andi %ge3A_290, %lt3A_293 : vector<16xi1>
    tpu.vector_store_idx %arg4[%get3A_245, %add3A_248], %broadcast_in_dim3A_5 masked %and3A_294 : memref<1000x128xf32, #tpu.memory_space<vmem>>[vector<16xi32>, vector<16xi32>], vector<16xf32>, vector<16xi1>
    %ge3A_295 = arith.constant 504 : i32
    %ge3A_296 = vector.broadcast %ge3A_295 : i32 to vector<16xi32>
    %ge3A_297 = arith.cmpi sge, %get3A_250, %ge3A_296 : vector<16xi32>
    %lt3A_298 = arith.constant 1000 : i32
    %lt3A_299 = vector.broadcast %lt3A_298 : i32 to vector<16xi32>
    %lt3A_300 = arith.cmpi slt, %get3A_250, %lt3A_299 : vector<16xi32>
    %and3A_301 = arith.andi %ge3A_297, %lt3A_300 : vector<16xi1>
    tpu.vector_store_idx %arg4[%get3A_250, %add3A_253], %broadcast_in_dim3A_5 masked %and3A_301 : memref<1000x128xf32, #tpu.memory_space<vmem>>[vector<16xi32>, vector<16xi32>], vector<16xf32>, vector<16xi1>
    %ge3A_302 = arith.constant 504 : i32
    %ge3A_303 = vector.broadcast %ge3A_302 : i32 to vector<16xi32>
    %ge3A_304 = arith.cmpi sge, %get3A_255, %ge3A_303 : vector<16xi32>
    %lt3A_305 = arith.constant 1000 : i32
    %lt3A_306 = vector.broadcast %lt3A_305 : i32 to vector<16xi32>
    %lt3A_307 = arith.cmpi slt, %get3A_255, %lt3A_306 : vector<16xi32>
    %and3A_308 = arith.andi %ge3A_304, %lt3A_307 : vector<16xi1>
    tpu.vector_store_idx %arg4[%get3A_255, %add3A_258], %broadcast_in_dim3A_5 masked %and3A_308 : memref<1000x128xf32, #tpu.memory_space<vmem>>[vector<16xi32>, vector<16xi32>], vector<16xf32>, vector<16xi1>
    %ge3A_309 = arith.constant 504 : i32
    %ge3A_310 = vector.broadcast %ge3A_309 : i32 to vector<16xi32>
    %ge3A_311 = arith.cmpi sge, %get3A_260, %ge3A_310 : vector<16xi32>
    %lt3A_312 = arith.constant 1000 : i32
    %lt3A_313 = vector.broadcast %lt3A_312 : i32 to vector<16xi32>
    %lt3A_314 = arith.cmpi slt, %get3A_260, %lt3A_313 : vector<16xi32>
    %and3A_315 = arith.andi %ge3A_311, %lt3A_314 : vector<16xi1>
    tpu.vector_store_idx %arg4[%get3A_260, %add3A_263], %broadcast_in_dim3A_5 masked %and3A_315 : memref<1000x128xf32, #tpu.memory_space<vmem>>[vector<16xi32>, vector<16xi32>], vector<16xf32>, vector<16xi1>
    %ge3A_316 = arith.constant 504 : i32
    %ge3A_317 = vector.broadcast %ge3A_316 : i32 to vector<16xi32>
    %ge3A_318 = arith.cmpi sge, %get3A_265, %ge3A_317 : vector<16xi32>
    %lt3A_319 = arith.constant 1000 : i32
    %lt3A_320 = vector.broadcast %lt3A_319 : i32 to vector<16xi32>
    %lt3A_321 = arith.cmpi slt, %get3A_265, %lt3A_320 : vector<16xi32>
    %and3A_322 = arith.andi %ge3A_318, %lt3A_321 : vector<16xi1>
    tpu.vector_store_idx %arg4[%get3A_265, %add3A_268], %broadcast_in_dim3A_5 masked %and3A_322 : memref<1000x128xf32, #tpu.memory_space<vmem>>[vector<16xi32>, vector<16xi32>], vector<16xf32>, vector<16xi1>
    %ge3A_323 = arith.constant 504 : i32
    %ge3A_324 = vector.broadcast %ge3A_323 : i32 to vector<16xi32>
    %ge3A_325 = arith.cmpi sge, %get3A_270, %ge3A_324 : vector<16xi32>
    %lt3A_326 = arith.constant 1000 : i32
    %lt3A_327 = vector.broadcast %lt3A_326 : i32 to vector<16xi32>
    %lt3A_328 = arith.cmpi slt, %get3A_270, %lt3A_327 : vector<16xi32>
    %and3A_329 = arith.andi %ge3A_325, %lt3A_328 : vector<16xi1>
    tpu.vector_store_idx %arg4[%get3A_270, %add3A_273], %broadcast_in_dim3A_5 masked %and3A_329 : memref<1000x128xf32, #tpu.memory_space<vmem>>[vector<16xi32>, vector<16xi32>], vector<16xf32>, vector<16xi1>
    %add3A_330 = arith.constant 0 : i32
    %add3A_331 = arith.addi %mul3A_2, %add3A_330 : i32
    %dma_start3A_332 = arith.constant 504 : i32
    %dma_start3A_333 = arith.constant 0 : i32
    %dma_start3A_334 = tpu.memref_slice %arg4[%dma_start3A_332, %dma_start3A_333] : memref<1000x128xf32, #tpu.memory_space<vmem>> -> memref<496x128xf32, #tpu.memory_space<vmem>>
    %dma_start3A_335 = arith.constant 504 : i32
    %dma_start3A_336 = tpu.memref_slice %arg3[%dma_start3A_335, %add3A_331] : memref<1000x16384xf32, #tpu.memory_space<hbm>> -> memref<496x128xf32, #tpu.memory_space<hbm>>
    %dma_start3A_337 = arith.constant 504 : i32
    %dma_start3A_338 = tpu.memref_slice %arg3[%dma_start3A_337, %add3A_331] : memref<1000x16384xf32, #tpu.memory_space<hbm>> -> memref<496x128xf32, #tpu.memory_space<hbm>>
    %dma_start3A_339 = arith.constant 504 : i32
    %dma_start3A_340 = arith.constant 0 : i32
    %dma_start3A_341 = tpu.memref_slice %arg4[%dma_start3A_339, %dma_start3A_340] : memref<1000x128xf32, #tpu.memory_space<vmem>> -> memref<496x128xf32, #tpu.memory_space<vmem>>
    tpu.enqueue_dma source(%dma_start3A_341 : memref<496x128xf32, #tpu.memory_space<vmem>>) target(%dma_start3A_338 : memref<496x128xf32, #tpu.memory_space<hbm>>) target_semaphore(%arg8 : memref<!tpu.dma_semaphore, #tpu.memory_space<semaphore_mem>>)
    %add3A_342 = arith.constant 0 : i32
    %add3A_343 = arith.addi %mul3A_2, %add3A_342 : i32
    %dma_wait3A = arith.constant 0 : i32
    %dma_wait3A_344 = arith.constant 0 : i32
    %dma_wait3A_345 = tpu.memref_slice %arg4[%dma_wait3A, %dma_wait3A_344] : memref<1000x128xf32, #tpu.memory_space<vmem>> -> memref<248x128xf32, #tpu.memory_space<vmem>>
    %dma_wait3A_346 = arith.constant 0 : i32
    %dma_wait3A_347 = tpu.memref_slice %arg3[%dma_wait3A_346, %add3A_343] : memref<1000x16384xf32, #tpu.memory_space<hbm>> -> memref<248x128xf32, #tpu.memory_space<hbm>>
    %dma_wait3A_348 = arith.constant 0 : i32
    %dma_wait3A_349 = tpu.memref_slice %arg3[%dma_wait3A_348, %add3A_343] : memref<1000x16384xf32, #tpu.memory_space<hbm>> -> memref<248x128xf32, #tpu.memory_space<hbm>>
    %dma_wait3A_350 = arith.constant 0 : i32
    %dma_wait3A_351 = arith.constant 0 : i32
    %dma_wait3A_352 = tpu.memref_slice %arg4[%dma_wait3A_350, %dma_wait3A_351] : memref<1000x128xf32, #tpu.memory_space<vmem>> -> memref<248x128xf32, #tpu.memory_space<vmem>>
    tpu.wait_dma2 semaphore(%arg6 : memref<!tpu.dma_semaphore, #tpu.memory_space<semaphore_mem>>) src(%dma_wait3A_352 : memref<248x128xf32, #tpu.memory_space<vmem>>) dst(%dma_wait3A_349 : memref<248x128xf32, #tpu.memory_space<hbm>>)
    %add3A_353 = arith.constant 0 : i32
    %add3A_354 = arith.addi %mul3A_2, %add3A_353 : i32
    %dma_wait3A_355 = arith.constant 248 : i32
    %dma_wait3A_356 = arith.constant 0 : i32
    %dma_wait3A_357 = tpu.memref_slice %arg4[%dma_wait3A_355, %dma_wait3A_356] : memref<1000x128xf32, #tpu.memory_space<vmem>> -> memref<256x128xf32, #tpu.memory_space<vmem>>
    %dma_wait3A_358 = arith.constant 248 : i32
    %dma_wait3A_359 = tpu.memref_slice %arg3[%dma_wait3A_358, %add3A_354] : memref<1000x16384xf32, #tpu.memory_space<hbm>> -> memref<256x128xf32, #tpu.memory_space<hbm>>
    %dma_wait3A_360 = arith.constant 248 : i32
    %dma_wait3A_361 = tpu.memref_slice %arg3[%dma_wait3A_360, %add3A_354] : memref<1000x16384xf32, #tpu.memory_space<hbm>> -> memref<256x128xf32, #tpu.memory_space<hbm>>
    %dma_wait3A_362 = arith.constant 248 : i32
    %dma_wait3A_363 = arith.constant 0 : i32
    %dma_wait3A_364 = tpu.memref_slice %arg4[%dma_wait3A_362, %dma_wait3A_363] : memref<1000x128xf32, #tpu.memory_space<vmem>> -> memref<256x128xf32, #tpu.memory_space<vmem>>
    tpu.wait_dma2 semaphore(%arg7 : memref<!tpu.dma_semaphore, #tpu.memory_space<semaphore_mem>>) src(%dma_wait3A_364 : memref<256x128xf32, #tpu.memory_space<vmem>>) dst(%dma_wait3A_361 : memref<256x128xf32, #tpu.memory_space<hbm>>)
    %add3A_365 = arith.constant 0 : i32
    %add3A_366 = arith.addi %mul3A_2, %add3A_365 : i32
    %dma_wait3A_367 = arith.constant 504 : i32
    %dma_wait3A_368 = arith.constant 0 : i32
    %dma_wait3A_369 = tpu.memref_slice %arg4[%dma_wait3A_367, %dma_wait3A_368] : memref<1000x128xf32, #tpu.memory_space<vmem>> -> memref<496x128xf32, #tpu.memory_space<vmem>>
    %dma_wait3A_370 = arith.constant 504 : i32
    %dma_wait3A_371 = tpu.memref_slice %arg3[%dma_wait3A_370, %add3A_366] : memref<1000x16384xf32, #tpu.memory_space<hbm>> -> memref<496x128xf32, #tpu.memory_space<hbm>>
    %dma_wait3A_372 = arith.constant 504 : i32
    %dma_wait3A_373 = tpu.memref_slice %arg3[%dma_wait3A_372, %add3A_366] : memref<1000x16384xf32, #tpu.memory_space<hbm>> -> memref<496x128xf32, #tpu.memory_space<hbm>>
    %dma_wait3A_374 = arith.constant 504 : i32
    %dma_wait3A_375 = arith.constant 0 : i32
    %dma_wait3A_376 = tpu.memref_slice %arg4[%dma_wait3A_374, %dma_wait3A_375] : memref<1000x128xf32, #tpu.memory_space<vmem>> -> memref<496x128xf32, #tpu.memory_space<vmem>>
    tpu.wait_dma2 semaphore(%arg8 : memref<!tpu.dma_semaphore, #tpu.memory_space<semaphore_mem>>) src(%dma_wait3A_376 : memref<496x128xf32, #tpu.memory_space<vmem>>) dst(%dma_wait3A_373 : memref<496x128xf32, #tpu.memory_space<hbm>>)
    %get3A_377 = arith.constant 0 : index
    %get3A_378 = tpu.vector_load %arg5[%get3A_377] {strides = array<i32>} : memref<512xi32, #tpu.memory_space<vmem>>, vector<16xi32>,
    %add3A_379 = arith.constant 0 : i32
    %add3A_380 = vector.broadcast %add3A_379 : i32 to vector<16xi32>
    %add3A_381 = arith.addi %add3A_380, %iota3A : vector<16xi32>
    %get3A_382 = arith.constant 16 : index
    %get3A_383 = tpu.vector_load %arg5[%get3A_382] {strides = array<i32>} : memref<512xi32, #tpu.memory_space<vmem>>, vector<16xi32>,
    %add3A_384 = arith.constant 16 : i32
    %add3A_385 = vector.broadcast %add3A_384 : i32 to vector<16xi32>
    %add3A_386 = arith.addi %add3A_385, %iota3A : vector<16xi32>
    %get3A_387 = arith.constant 32 : index
    %get3A_388 = tpu.vector_load %arg5[%get3A_387] {strides = array<i32>} : memref<512xi32, #tpu.memory_space<vmem>>, vector<16xi32>,
    %add3A_389 = arith.constant 32 : i32
    %add3A_390 = vector.broadcast %add3A_389 : i32 to vector<16xi32>
    %add3A_391 = arith.addi %add3A_390, %iota3A : vector<16xi32>
    %get3A_392 = arith.constant 48 : index
    %get3A_393 = tpu.vector_load %arg5[%get3A_392] {strides = array<i32>} : memref<512xi32, #tpu.memory_space<vmem>>, vector<16xi32>,
    %add3A_394 = arith.constant 48 : i32
    %add3A_395 = vector.broadcast %add3A_394 : i32 to vector<16xi32>
    %add3A_396 = arith.addi %add3A_395, %iota3A : vector<16xi32>
    %get3A_397 = arith.constant 64 : index
    %get3A_398 = tpu.vector_load %arg5[%get3A_397] {strides = array<i32>} : memref<512xi32, #tpu.memory_space<vmem>>, vector<16xi32>,
    %add3A_399 = arith.constant 64 : i32
    %add3A_400 = vector.broadcast %add3A_399 : i32 to vector<16xi32>
    %add3A_401 = arith.addi %add3A_400, %iota3A : vector<16xi32>
    %get3A_402 = arith.constant 80 : index
    %get3A_403 = tpu.vector_load %arg5[%get3A_402] {strides = array<i32>} : memref<512xi32, #tpu.memory_space<vmem>>, vector<16xi32>,
    %add3A_404 = arith.constant 80 : i32
    %add3A_405 = vector.broadcast %add3A_404 : i32 to vector<16xi32>
    %add3A_406 = arith.addi %add3A_405, %iota3A : vector<16xi32>
    %get3A_407 = arith.constant 96 : index
    %get3A_408 = tpu.vector_load %arg5[%get3A_407] {strides = array<i32>} : memref<512xi32, #tpu.memory_space<vmem>>, vector<16xi32>,
    %add3A_409 = arith.constant 96 : i32
    %add3A_410 = vector.broadcast %add3A_409 : i32 to vector<16xi32>
    %add3A_411 = arith.addi %add3A_410, %iota3A : vector<16xi32>
    %get3A_412 = arith.constant 112 : index
    %get3A_413 = tpu.vector_load %arg5[%get3A_412] {strides = array<i32>} : memref<512xi32, #tpu.memory_space<vmem>>, vector<16xi32>,
    %add3A_414 = arith.constant 112 : i32
    %add3A_415 = vector.broadcast %add3A_414 : i32 to vector<16xi32>
    %add3A_416 = arith.addi %add3A_415, %iota3A : vector<16xi32>
    tpu.vector_store_idx %arg4[%get3A_378, %add3A_381], %broadcast_in_dim3A_3 : memref<1000x128xf32, #tpu.memory_space<vmem>>[vector<16xi32>, vector<16xi32>], vector<16xf32>,
    tpu.vector_store_idx %arg4[%get3A_383, %add3A_386], %broadcast_in_dim3A_3 : memref<1000x128xf32, #tpu.memory_space<vmem>>[vector<16xi32>, vector<16xi32>], vector<16xf32>,
    tpu.vector_store_idx %arg4[%get3A_388, %add3A_391], %broadcast_in_dim3A_3 : memref<1000x128xf32, #tpu.memory_space<vmem>>[vector<16xi32>, vector<16xi32>], vector<16xf32>,
    tpu.vector_store_idx %arg4[%get3A_393, %add3A_396], %broadcast_in_dim3A_3 : memref<1000x128xf32, #tpu.memory_space<vmem>>[vector<16xi32>, vector<16xi32>], vector<16xf32>,
    tpu.vector_store_idx %arg4[%get3A_398, %add3A_401], %broadcast_in_dim3A_3 : memref<1000x128xf32, #tpu.memory_space<vmem>>[vector<16xi32>, vector<16xi32>], vector<16xf32>,
    tpu.vector_store_idx %arg4[%get3A_403, %add3A_406], %broadcast_in_dim3A_3 : memref<1000x128xf32, #tpu.memory_space<vmem>>[vector<16xi32>, vector<16xi32>], vector<16xf32>,
    tpu.vector_store_idx %arg4[%get3A_408, %add3A_411], %broadcast_in_dim3A_3 : memref<1000x128xf32, #tpu.memory_space<vmem>>[vector<16xi32>, vector<16xi32>], vector<16xf32>,
    tpu.vector_store_idx %arg4[%get3A_413, %add3A_416], %broadcast_in_dim3A_3 : memref<1000x128xf32, #tpu.memory_space<vmem>>[vector<16xi32>, vector<16xi32>], vector<16xf32>,
    %get3A_417 = arith.constant 128 : index
    %get3A_418 = tpu.vector_load %arg5[%get3A_417] {strides = array<i32>} : memref<512xi32, #tpu.memory_space<vmem>>, vector<16xi32>,
    %add3A_419 = arith.constant 0 : i32
    %add3A_420 = vector.broadcast %add3A_419 : i32 to vector<16xi32>
    %add3A_421 = arith.addi %add3A_420, %iota3A : vector<16xi32>
    %get3A_422 = arith.constant 144 : index
    %get3A_423 = tpu.vector_load %arg5[%get3A_422] {strides = array<i32>} : memref<512xi32, #tpu.memory_space<vmem>>, vector<16xi32>,
    %add3A_424 = arith.constant 16 : i32
    %add3A_425 = vector.broadcast %add3A_424 : i32 to vector<16xi32>
    %add3A_426 = arith.addi %add3A_425, %iota3A : vector<16xi32>
    %get3A_427 = arith.constant 160 : index
    %get3A_428 = tpu.vector_load %arg5[%get3A_427] {strides = array<i32>} : memref<512xi32, #tpu.memory_space<vmem>>, vector<16xi32>,
    %add3A_429 = arith.constant 32 : i32
    %add3A_430 = vector.broadcast %add3A_429 : i32 to vector<16xi32>
    %add3A_431 = arith.addi %add3A_430, %iota3A : vector<16xi32>
    %get3A_432 = arith.constant 176 : index
    %get3A_433 = tpu.vector_load %arg5[%get3A_432] {strides = array<i32>} : memref<512xi32, #tpu.memory_space<vmem>>, vector<16xi32>,
    %add3A_434 = arith.constant 48 : i32
    %add3A_435 = vector.broadcast %add3A_434 : i32 to vector<16xi32>
    %add3A_436 = arith.addi %add3A_435, %iota3A : vector<16xi32>
    %get3A_437 = arith.constant 192 : index
    %get3A_438 = tpu.vector_load %arg5[%get3A_437] {strides = array<i32>} : memref<512xi32, #tpu.memory_space<vmem>>, vector<16xi32>,
    %add3A_439 = arith.constant 64 : i32
    %add3A_440 = vector.broadcast %add3A_439 : i32 to vector<16xi32>
    %add3A_441 = arith.addi %add3A_440, %iota3A : vector<16xi32>
    %get3A_442 = arith.constant 208 : index
    %get3A_443 = tpu.vector_load %arg5[%get3A_442] {strides = array<i32>} : memref<512xi32, #tpu.memory_space<vmem>>, vector<16xi32>,
    %add3A_444 = arith.constant 80 : i32
    %add3A_445 = vector.broadcast %add3A_444 : i32 to vector<16xi32>
    %add3A_446 = arith.addi %add3A_445, %iota3A : vector<16xi32>
    %get3A_447 = arith.constant 224 : index
    %get3A_448 = tpu.vector_load %arg5[%get3A_447] {strides = array<i32>} : memref<512xi32, #tpu.memory_space<vmem>>, vector<16xi32>,
    %add3A_449 = arith.constant 96 : i32
    %add3A_450 = vector.broadcast %add3A_449 : i32 to vector<16xi32>
    %add3A_451 = arith.addi %add3A_450, %iota3A : vector<16xi32>
    %get3A_452 = arith.constant 240 : index
    %get3A_453 = tpu.vector_load %arg5[%get3A_452] {strides = array<i32>} : memref<512xi32, #tpu.memory_space<vmem>>, vector<16xi32>,
    %add3A_454 = arith.constant 112 : i32
    %add3A_455 = vector.broadcast %add3A_454 : i32 to vector<16xi32>
    %add3A_456 = arith.addi %add3A_455, %iota3A : vector<16xi32>
    tpu.vector_store_idx %arg4[%get3A_418, %add3A_421], %broadcast_in_dim3A_5 : memref<1000x128xf32, #tpu.memory_space<vmem>>[vector<16xi32>, vector<16xi32>], vector<16xf32>,
    tpu.vector_store_idx %arg4[%get3A_423, %add3A_426], %broadcast_in_dim3A_5 : memref<1000x128xf32, #tpu.memory_space<vmem>>[vector<16xi32>, vector<16xi32>], vector<16xf32>,
    tpu.vector_store_idx %arg4[%get3A_428, %add3A_431], %broadcast_in_dim3A_5 : memref<1000x128xf32, #tpu.memory_space<vmem>>[vector<16xi32>, vector<16xi32>], vector<16xf32>,
    tpu.vector_store_idx %arg4[%get3A_433, %add3A_436], %broadcast_in_dim3A_5 : memref<1000x128xf32, #tpu.memory_space<vmem>>[vector<16xi32>, vector<16xi32>], vector<16xf32>,
    tpu.vector_store_idx %arg4[%get3A_438, %add3A_441], %broadcast_in_dim3A_5 : memref<1000x128xf32, #tpu.memory_space<vmem>>[vector<16xi32>, vector<16xi32>], vector<16xf32>,
    tpu.vector_store_idx %arg4[%get3A_443, %add3A_446], %broadcast_in_dim3A_5 : memref<1000x128xf32, #tpu.memory_space<vmem>>[vector<16xi32>, vector<16xi32>], vector<16xf32>,
    tpu.vector_store_idx %arg4[%get3A_448, %add3A_451], %broadcast_in_dim3A_5 : memref<1000x128xf32, #tpu.memory_space<vmem>>[vector<16xi32>, vector<16xi32>], vector<16xf32>,
    tpu.vector_store_idx %arg4[%get3A_453, %add3A_456], %broadcast_in_dim3A_5 : memref<1000x128xf32, #tpu.memory_space<vmem>>[vector<16xi32>, vector<16xi32>], vector<16xf32>,
    %add3A_457 = arith.constant 128 : i32
    %add3A_458 = arith.addi %mul3A_2, %add3A_457 : i32
    %dma_start3A_459 = arith.constant 0 : i32
    %dma_start3A_460 = arith.constant 0 : i32
    %dma_start3A_461 = tpu.memref_slice %arg4[%dma_start3A_459, %dma_start3A_460] : memref<1000x128xf32, #tpu.memory_space<vmem>> -> memref<248x128xf32, #tpu.memory_space<vmem>>
    %dma_start3A_462 = arith.constant 0 : i32
    %dma_start3A_463 = tpu.memref_slice %arg3[%dma_start3A_462, %add3A_458] : memref<1000x16384xf32, #tpu.memory_space<hbm>> -> memref<248x128xf32, #tpu.memory_space<hbm>>
    %dma_start3A_464 = arith.constant 0 : i32
    %dma_start3A_465 = tpu.memref_slice %arg3[%dma_start3A_464, %add3A_458] : memref<1000x16384xf32, #tpu.memory_space<hbm>> -> memref<248x128xf32, #tpu.memory_space<hbm>>
    %dma_start3A_466 = arith.constant 0 : i32
    %dma_start3A_467 = arith.constant 0 : i32
    %dma_start3A_468 = tpu.memref_slice %arg4[%dma_start3A_466, %dma_start3A_467] : memref<1000x128xf32, #tpu.memory_space<vmem>> -> memref<248x128xf32, #tpu.memory_space<vmem>>
    tpu.enqueue_dma source(%dma_start3A_468 : memref<248x128xf32, #tpu.memory_space<vmem>>) target(%dma_start3A_465 : memref<248x128xf32, #tpu.memory_space<hbm>>) target_semaphore(%arg6 : memref<!tpu.dma_semaphore, #tpu.memory_space<semaphore_mem>>)
    %add3A_469 = arith.constant 128 : i32
    %add3A_470 = arith.addi %mul3A_2, %add3A_469 : i32
    %dma_start3A_471 = arith.constant 248 : i32
    %dma_start3A_472 = arith.constant 0 : i32
    %dma_start3A_473 = tpu.memref_slice %arg4[%dma_start3A_471, %dma_start3A_472] : memref<1000x128xf32, #tpu.memory_space<vmem>> -> memref<256x128xf32, #tpu.memory_space<vmem>>
    %dma_start3A_474 = arith.constant 248 : i32
    %dma_start3A_475 = tpu.memref_slice %arg3[%dma_start3A_474, %add3A_470] : memref<1000x16384xf32, #tpu.memory_space<hbm>> -> memref<256x128xf32, #tpu.memory_space<hbm>>
    %dma_start3A_476 = arith.constant 248 : i32
    %dma_start3A_477 = tpu.memref_slice %arg3[%dma_start3A_476, %add3A_470] : memref<1000x16384xf32, #tpu.memory_space<hbm>> -> memref<256x128xf32, #tpu.memory_space<hbm>>
    %dma_start3A_478 = arith.constant 248 : i32
    %dma_start3A_479 = arith.constant 0 : i32
    %dma_start3A_480 = tpu.memref_slice %arg4[%dma_start3A_478, %dma_start3A_479] : memref<1000x128xf32, #tpu.memory_space<vmem>> -> memref<256x128xf32, #tpu.memory_space<vmem>>
    tpu.enqueue_dma source(%dma_start3A_480 : memref<256x128xf32, #tpu.memory_space<vmem>>) target(%dma_start3A_477 : memref<256x128xf32, #tpu.memory_space<hbm>>) target_semaphore(%arg7 : memref<!tpu.dma_semaphore, #tpu.memory_space<semaphore_mem>>)
    %add3A_481 = arith.constant 128 : i32
    %add3A_482 = arith.addi %mul3A_2, %add3A_481 : i32
    %dma_start3A_483 = arith.constant 504 : i32
    %dma_start3A_484 = arith.constant 0 : i32
    %dma_start3A_485 = tpu.memref_slice %arg4[%dma_start3A_483, %dma_start3A_484] : memref<1000x128xf32, #tpu.memory_space<vmem>> -> memref<248x128xf32, #tpu.memory_space<vmem>>
    %dma_start3A_486 = arith.constant 504 : i32
    %dma_start3A_487 = tpu.memref_slice %arg3[%dma_start3A_486, %add3A_482] : memref<1000x16384xf32, #tpu.memory_space<hbm>> -> memref<248x128xf32, #tpu.memory_space<hbm>>
    %dma_start3A_488 = arith.constant 504 : i32
    %dma_start3A_489 = tpu.memref_slice %arg3[%dma_start3A_488, %add3A_482] : memref<1000x16384xf32, #tpu.memory_space<hbm>> -> memref<248x128xf32, #tpu.memory_space<hbm>>
    %dma_start3A_490 = arith.constant 504 : i32
    %dma_start3A_491 = arith.constant 0 : i32
    %dma_start3A_492 = tpu.memref_slice %arg4[%dma_start3A_490, %dma_start3A_491] : memref<1000x128xf32, #tpu.memory_space<vmem>> -> memref<248x128xf32, #tpu.memory_space<vmem>>
    tpu.enqueue_dma source(%dma_start3A_492 : memref<248x128xf32, #tpu.memory_space<vmem>>) target(%dma_start3A_489 : memref<248x128xf32, #tpu.memory_space<hbm>>) target_semaphore(%arg8 : memref<!tpu.dma_semaphore, #tpu.memory_space<semaphore_mem>>)
    %add3A_493 = arith.constant 128 : i32
    %add3A_494 = arith.addi %mul3A_2, %add3A_493 : i32
    %dma_start3A_495 = arith.constant 752 : i32
    %dma_start3A_496 = arith.constant 0 : i32
    %dma_start3A_497 = tpu.memref_slice %arg4[%dma_start3A_495, %dma_start3A_496] : memref<1000x128xf32, #tpu.memory_space<vmem>> -> memref<248x128xf32, #tpu.memory_space<vmem>>
    %dma_start3A_498 = arith.constant 752 : i32
    %dma_start3A_499 = tpu.memref_slice %arg3[%dma_start3A_498, %add3A_494] : memref<1000x16384xf32, #tpu.memory_space<hbm>> -> memref<248x128xf32, #tpu.memory_space<hbm>>
    %dma_start3A_500 = arith.constant 752 : i32
    %dma_start3A_501 = tpu.memref_slice %arg3[%dma_start3A_500, %add3A_494] : memref<1000x16384xf32, #tpu.memory_space<hbm>> -> memref<248x128xf32, #tpu.memory_space<hbm>>
    %dma_start3A_502 = arith.constant 752 : i32
    %dma_start3A_503 = arith.constant 0 : i32
    %dma_start3A_504 = tpu.memref_slice %arg4[%dma_start3A_502, %dma_start3A_503] : memref<1000x128xf32, #tpu.memory_space<vmem>> -> memref<248x128xf32, #tpu.memory_space<vmem>>
    tpu.enqueue_dma source(%dma_start3A_504 : memref<248x128xf32, #tpu.memory_space<vmem>>) target(%dma_start3A_501 : memref<248x128xf32, #tpu.memory_space<hbm>>) target_semaphore(%arg6 : memref<!tpu.dma_semaphore, #tpu.memory_space<semaphore_mem>>)
    %add3A_505 = arith.constant 128 : i32
    %add3A_506 = arith.addi %mul3A_2, %add3A_505 : i32
    %dma_wait3A_507 = arith.constant 0 : i32
    %dma_wait3A_508 = arith.constant 0 : i32
    %dma_wait3A_509 = tpu.memref_slice %arg4[%dma_wait3A_507, %dma_wait3A_508] : memref<1000x128xf32, #tpu.memory_space<vmem>> -> memref<248x128xf32, #tpu.memory_space<vmem>>
    %dma_wait3A_510 = arith.constant 0 : i32
    %dma_wait3A_511 = tpu.memref_slice %arg3[%dma_wait3A_510, %add3A_506] : memref<1000x16384xf32, #tpu.memory_space<hbm>> -> memref<248x128xf32, #tpu.memory_space<hbm>>
    %dma_wait3A_512 = arith.constant 0 : i32
    %dma_wait3A_513 = tpu.memref_slice %arg3[%dma_wait3A_512, %add3A_506] : memref<1000x16384xf32, #tpu.memory_space<hbm>> -> memref<248x128xf32, #tpu.memory_space<hbm>>
    %dma_wait3A_514 = arith.constant 0 : i32
    %dma_wait3A_515 = arith.constant 0 : i32
    %dma_wait3A_516 = tpu.memref_slice %arg4[%dma_wait3A_514, %dma_wait3A_515] : memref<1000x128xf32, #tpu.memory_space<vmem>> -> memref<248x128xf32, #tpu.memory_space<vmem>>
    tpu.wait_dma2 semaphore(%arg6 : memref<!tpu.dma_semaphore, #tpu.memory_space<semaphore_mem>>) src(%dma_wait3A_516 : memref<248x128xf32, #tpu.memory_space<vmem>>) dst(%dma_wait3A_513 : memref<248x128xf32, #tpu.memory_space<hbm>>)
    %add3A_517 = arith.constant 128 : i32
    %add3A_518 = arith.addi %mul3A_2, %add3A_517 : i32
    %dma_wait3A_519 = arith.constant 248 : i32
    %dma_wait3A_520 = arith.constant 0 : i32
    %dma_wait3A_521 = tpu.memref_slice %arg4[%dma_wait3A_519, %dma_wait3A_520] : memref<1000x128xf32, #tpu.memory_space<vmem>> -> memref<256x128xf32, #tpu.memory_space<vmem>>
    %dma_wait3A_522 = arith.constant 248 : i32
    %dma_wait3A_523 = tpu.memref_slice %arg3[%dma_wait3A_522, %add3A_518] : memref<1000x16384xf32, #tpu.memory_space<hbm>> -> memref<256x128xf32, #tpu.memory_space<hbm>>
    %dma_wait3A_524 = arith.constant 248 : i32
    %dma_wait3A_525 = tpu.memref_slice %arg3[%dma_wait3A_524, %add3A_518] : memref<1000x16384xf32, #tpu.memory_space<hbm>> -> memref<256x128xf32, #tpu.memory_space<hbm>>
    %dma_wait3A_526 = arith.constant 248 : i32
    %dma_wait3A_527 = arith.constant 0 : i32
    %dma_wait3A_528 = tpu.memref_slice %arg4[%dma_wait3A_526, %dma_wait3A_527] : memref<1000x128xf32, #tpu.memory_space<vmem>> -> memref<256x128xf32, #tpu.memory_space<vmem>>
    tpu.wait_dma2 semaphore(%arg7 : memref<!tpu.dma_semaphore, #tpu.memory_space<semaphore_mem>>) src(%dma_wait3A_528 : memref<256x128xf32, #tpu.memory_space<vmem>>) dst(%dma_wait3A_525 : memref<256x128xf32, #tpu.memory_space<hbm>>)
    %add3A_529 = arith.constant 128 : i32
    %add3A_530 = arith.addi %mul3A_2, %add3A_529 : i32
    %dma_wait3A_531 = arith.constant 504 : i32
    %dma_wait3A_532 = arith.constant 0 : i32
    %dma_wait3A_533 = tpu.memref_slice %arg4[%dma_wait3A_531, %dma_wait3A_532] : memref<1000x128xf32, #tpu.memory_space<vmem>> -> memref<248x128xf32, #tpu.memory_space<vmem>>
    %dma_wait3A_534 = arith.constant 504 : i32
    %dma_wait3A_535 = tpu.memref_slice %arg3[%dma_wait3A_534, %add3A_530] : memref<1000x16384xf32, #tpu.memory_space<hbm>> -> memref<248x128xf32, #tpu.memory_space<hbm>>
    %dma_wait3A_536 = arith.constant 504 : i32
    %dma_wait3A_537 = tpu.memref_slice %arg3[%dma_wait3A_536, %add3A_530] : memref<1000x16384xf32, #tpu.memory_space<hbm>> -> memref<248x128xf32, #tpu.memory_space<hbm>>
    %dma_wait3A_538 = arith.constant 504 : i32
    %dma_wait3A_539 = arith.constant 0 : i32
    %dma_wait3A_540 = tpu.memref_slice %arg4[%dma_wait3A_538, %dma_wait3A_539] : memref<1000x128xf32, #tpu.memory_space<vmem>> -> memref<248x128xf32, #tpu.memory_space<vmem>>
    tpu.wait_dma2 semaphore(%arg8 : memref<!tpu.dma_semaphore, #tpu.memory_space<semaphore_mem>>) src(%dma_wait3A_540 : memref<248x128xf32, #tpu.memory_space<vmem>>) dst(%dma_wait3A_537 : memref<248x128xf32, #tpu.memory_space<hbm>>)
    %add3A_541 = arith.constant 128 : i32
    %add3A_542 = arith.addi %mul3A_2, %add3A_541 : i32
    %dma_wait3A_543 = arith.constant 752 : i32
    %dma_wait3A_544 = arith.constant 0 : i32
    %dma_wait3A_545 = tpu.memref_slice %arg4[%dma_wait3A_543, %dma_wait3A_544] : memref<1000x128xf32, #tpu.memory_space<vmem>> -> memref<248x128xf32, #tpu.memory_space<vmem>>
    %dma_wait3A_546 = arith.constant 752 : i32
    %dma_wait3A_547 = tpu.memref_slice %arg3[%dma_wait3A_546, %add3A_542] : memref<1000x16384xf32, #tpu.memory_space<hbm>> -> memref<248x128xf32, #tpu.memory_space<hbm>>
    %dma_wait3A_548 = arith.constant 752 : i32
    %dma_wait3A_549 = tpu.memref_slice %arg3[%dma_wait3A_548, %add3A_542] : memref<1000x16384xf32, #tpu.memory_space<hbm>> -> memref<248x128xf32, #tpu.memory_space<hbm>>
    %dma_wait3A_550 = arith.constant 752 : i32
    %dma_wait3A_551 = arith.constant 0 : i32
    %dma_wait3A_552 = tpu.memref_slice %arg4[%dma_wait3A_550, %dma_wait3A_551] : memref<1000x128xf32, #tpu.memory_space<vmem>> -> memref<248x128xf32, #tpu.memory_space<vmem>>
    tpu.wait_dma2 semaphore(%arg6 : memref<!tpu.dma_semaphore, #tpu.memory_space<semaphore_mem>>) src(%dma_wait3A_552 : memref<248x128xf32, #tpu.memory_space<vmem>>) dst(%dma_wait3A_549 : memref<248x128xf32, #tpu.memory_space<hbm>>)
    %get3A_553 = arith.constant 128 : index
    %get3A_554 = tpu.vector_load %arg5[%get3A_553] {strides = array<i32>} : memref<512xi32, #tpu.memory_space<vmem>>, vector<16xi32>,
    %add3A_555 = arith.constant 0 : i32
    %add3A_556 = vector.broadcast %add3A_555 : i32 to vector<16xi32>
    %add3A_557 = arith.addi %add3A_556, %iota3A : vector<16xi32>
    %get3A_558 = arith.constant 144 : index
    %get3A_559 = tpu.vector_load %arg5[%get3A_558] {strides = array<i32>} : memref<512xi32, #tpu.memory_space<vmem>>, vector<16xi32>,
    %add3A_560 = arith.constant 16 : i32
    %add3A_561 = vector.broadcast %add3A_560 : i32 to vector<16xi32>
    %add3A_562 = arith.addi %add3A_561, %iota3A : vector<16xi32>
    %get3A_563 = arith.constant 160 : index
    %get3A_564 = tpu.vector_load %arg5[%get3A_563] {strides = array<i32>} : memref<512xi32, #tpu.memory_space<vmem>>, vector<16xi32>,
    %add3A_565 = arith.constant 32 : i32
    %add3A_566 = vector.broadcast %add3A_565 : i32 to vector<16xi32>
    %add3A_567 = arith.addi %add3A_566, %iota3A : vector<16xi32>
    %get3A_568 = arith.constant 176 : index
    %get3A_569 = tpu.vector_load %arg5[%get3A_568] {strides = array<i32>} : memref<512xi32, #tpu.memory_space<vmem>>, vector<16xi32>,
    %add3A_570 = arith.constant 48 : i32
    %add3A_571 = vector.broadcast %add3A_570 : i32 to vector<16xi32>
    %add3A_572 = arith.addi %add3A_571, %iota3A : vector<16xi32>
    %get3A_573 = arith.constant 192 : index
    %get3A_574 = tpu.vector_load %arg5[%get3A_573] {strides = array<i32>} : memref<512xi32, #tpu.memory_space<vmem>>, vector<16xi32>,
    %add3A_575 = arith.constant 64 : i32
    %add3A_576 = vector.broadcast %add3A_575 : i32 to vector<16xi32>
    %add3A_577 = arith.addi %add3A_576, %iota3A : vector<16xi32>
    %get3A_578 = arith.constant 208 : index
    %get3A_579 = tpu.vector_load %arg5[%get3A_578] {strides = array<i32>} : memref<512xi32, #tpu.memory_space<vmem>>, vector<16xi32>,
    %add3A_580 = arith.constant 80 : i32
    %add3A_581 = vector.broadcast %add3A_580 : i32 to vector<16xi32>
    %add3A_582 = arith.addi %add3A_581, %iota3A : vector<16xi32>
    %get3A_583 = arith.constant 224 : index
    %get3A_584 = tpu.vector_load %arg5[%get3A_583] {strides = array<i32>} : memref<512xi32, #tpu.memory_space<vmem>>, vector<16xi32>,
    %add3A_585 = arith.constant 96 : i32
    %add3A_586 = vector.broadcast %add3A_585 : i32 to vector<16xi32>
    %add3A_587 = arith.addi %add3A_586, %iota3A : vector<16xi32>
    %get3A_588 = arith.constant 240 : index
    %get3A_589 = tpu.vector_load %arg5[%get3A_588] {strides = array<i32>} : memref<512xi32, #tpu.memory_space<vmem>>, vector<16xi32>,
    %add3A_590 = arith.constant 112 : i32
    %add3A_591 = vector.broadcast %add3A_590 : i32 to vector<16xi32>
    %add3A_592 = arith.addi %add3A_591, %iota3A : vector<16xi32>
    tpu.vector_store_idx %arg4[%get3A_554, %add3A_557], %broadcast_in_dim3A_3 : memref<1000x128xf32, #tpu.memory_space<vmem>>[vector<16xi32>, vector<16xi32>], vector<16xf32>,
    tpu.vector_store_idx %arg4[%get3A_559, %add3A_562], %broadcast_in_dim3A_3 : memref<1000x128xf32, #tpu.memory_space<vmem>>[vector<16xi32>, vector<16xi32>], vector<16xf32>,
    tpu.vector_store_idx %arg4[%get3A_564, %add3A_567], %broadcast_in_dim3A_3 : memref<1000x128xf32, #tpu.memory_space<vmem>>[vector<16xi32>, vector<16xi32>], vector<16xf32>,
    tpu.vector_store_idx %arg4[%get3A_569, %add3A_572], %broadcast_in_dim3A_3 : memref<1000x128xf32, #tpu.memory_space<vmem>>[vector<16xi32>, vector<16xi32>], vector<16xf32>,
    tpu.vector_store_idx %arg4[%get3A_574, %add3A_577], %broadcast_in_dim3A_3 : memref<1000x128xf32, #tpu.memory_space<vmem>>[vector<16xi32>, vector<16xi32>], vector<16xf32>,
    tpu.vector_store_idx %arg4[%get3A_579, %add3A_582], %broadcast_in_dim3A_3 : memref<1000x128xf32, #tpu.memory_space<vmem>>[vector<16xi32>, vector<16xi32>], vector<16xf32>,
    tpu.vector_store_idx %arg4[%get3A_584, %add3A_587], %broadcast_in_dim3A_3 : memref<1000x128xf32, #tpu.memory_space<vmem>>[vector<16xi32>, vector<16xi32>], vector<16xf32>,
    tpu.vector_store_idx %arg4[%get3A_589, %add3A_592], %broadcast_in_dim3A_3 : memref<1000x128xf32, #tpu.memory_space<vmem>>[vector<16xi32>, vector<16xi32>], vector<16xf32>,
    %get3A_593 = arith.constant 256 : index
    %get3A_594 = tpu.vector_load %arg5[%get3A_593] {strides = array<i32>} : memref<512xi32, #tpu.memory_space<vmem>>, vector<16xi32>,
    %add3A_595 = arith.constant 0 : i32
    %add3A_596 = vector.broadcast %add3A_595 : i32 to vector<16xi32>
    %add3A_597 = arith.addi %add3A_596, %iota3A : vector<16xi32>
    %get3A_598 = arith.constant 272 : index
    %get3A_599 = tpu.vector_load %arg5[%get3A_598] {strides = array<i32>} : memref<512xi32, #tpu.memory_space<vmem>>, vector<16xi32>,
    %add3A_600 = arith.constant 16 : i32
    %add3A_601 = vector.broadcast %add3A_600 : i32 to vector<16xi32>
    %add3A_602 = arith.addi %add3A_601, %iota3A : vector<16xi32>
    %get3A_603 = arith.constant 288 : index
    %get3A_604 = tpu.vector_load %arg5[%get3A_603] {strides = array<i32>} : memref<512xi32, #tpu.memory_space<vmem>>, vector<16xi32>,
    %add3A_605 = arith.constant 32 : i32
    %add3A_606 = vector.broadcast %add3A_605 : i32 to vector<16xi32>
    %add3A_607 = arith.addi %add3A_606, %iota3A : vector<16xi32>
    %get3A_608 = arith.constant 304 : index
    %get3A_609 = tpu.vector_load %arg5[%get3A_608] {strides = array<i32>} : memref<512xi32, #tpu.memory_space<vmem>>, vector<16xi32>,
    %add3A_610 = arith.constant 48 : i32
    %add3A_611 = vector.broadcast %add3A_610 : i32 to vector<16xi32>
    %add3A_612 = arith.addi %add3A_611, %iota3A : vector<16xi32>
    %get3A_613 = arith.constant 320 : index
    %get3A_614 = tpu.vector_load %arg5[%get3A_613] {strides = array<i32>} : memref<512xi32, #tpu.memory_space<vmem>>, vector<16xi32>,
    %add3A_615 = arith.constant 64 : i32
    %add3A_616 = vector.broadcast %add3A_615 : i32 to vector<16xi32>
    %add3A_617 = arith.addi %add3A_616, %iota3A : vector<16xi32>
    %get3A_618 = arith.constant 336 : index
    %get3A_619 = tpu.vector_load %arg5[%get3A_618] {strides = array<i32>} : memref<512xi32, #tpu.memory_space<vmem>>, vector<16xi32>,
    %add3A_620 = arith.constant 80 : i32
    %add3A_621 = vector.broadcast %add3A_620 : i32 to vector<16xi32>
    %add3A_622 = arith.addi %add3A_621, %iota3A : vector<16xi32>
    %get3A_623 = arith.constant 352 : index
    %get3A_624 = tpu.vector_load %arg5[%get3A_623] {strides = array<i32>} : memref<512xi32, #tpu.memory_space<vmem>>, vector<16xi32>,
    %add3A_625 = arith.constant 96 : i32
    %add3A_626 = vector.broadcast %add3A_625 : i32 to vector<16xi32>
    %add3A_627 = arith.addi %add3A_626, %iota3A : vector<16xi32>
    %get3A_628 = arith.constant 368 : index
    %get3A_629 = tpu.vector_load %arg5[%get3A_628] {strides = array<i32>} : memref<512xi32, #tpu.memory_space<vmem>>, vector<16xi32>,
    %add3A_630 = arith.constant 112 : i32
    %add3A_631 = vector.broadcast %add3A_630 : i32 to vector<16xi32>
    %add3A_632 = arith.addi %add3A_631, %iota3A : vector<16xi32>
    tpu.vector_store_idx %arg4[%get3A_594, %add3A_597], %broadcast_in_dim3A_5 : memref<1000x128xf32, #tpu.memory_space<vmem>>[vector<16xi32>, vector<16xi32>], vector<16xf32>,
    tpu.vector_store_idx %arg4[%get3A_599, %add3A_602], %broadcast_in_dim3A_5 : memref<1000x128xf32, #tpu.memory_space<vmem>>[vector<16xi32>, vector<16xi32>], vector<16xf32>,
    tpu.vector_store_idx %arg4[%get3A_604, %add3A_607], %broadcast_in_dim3A_5 : memref<1000x128xf32, #tpu.memory_space<vmem>>[vector<16xi32>, vector<16xi32>], vector<16xf32>,
    tpu.vector_store_idx %arg4[%get3A_609, %add3A_612], %broadcast_in_dim3A_5 : memref<1000x128xf32, #tpu.memory_space<vmem>>[vector<16xi32>, vector<16xi32>], vector<16xf32>,
    tpu.vector_store_idx %arg4[%get3A_614, %add3A_617], %broadcast_in_dim3A_5 : memref<1000x128xf32, #tpu.memory_space<vmem>>[vector<16xi32>, vector<16xi32>], vector<16xf32>,
    tpu.vector_store_idx %arg4[%get3A_619, %add3A_622], %broadcast_in_dim3A_5 : memref<1000x128xf32, #tpu.memory_space<vmem>>[vector<16xi32>, vector<16xi32>], vector<16xf32>,
    tpu.vector_store_idx %arg4[%get3A_624, %add3A_627], %broadcast_in_dim3A_5 : memref<1000x128xf32, #tpu.memory_space<vmem>>[vector<16xi32>, vector<16xi32>], vector<16xf32>,
    tpu.vector_store_idx %arg4[%get3A_629, %add3A_632], %broadcast_in_dim3A_5 : memref<1000x128xf32, #tpu.memory_space<vmem>>[vector<16xi32>, vector<16xi32>], vector<16xf32>,
    %add3A_633 = arith.constant 256 : i32
    %add3A_634 = arith.addi %mul3A_2, %add3A_633 : i32
    %dma_start3A_635 = arith.constant 0 : i32
    %dma_start3A_636 = arith.constant 0 : i32
    %dma_start3A_637 = tpu.memref_slice %arg4[%dma_start3A_635, %dma_start3A_636] : memref<1000x128xf32, #tpu.memory_space<vmem>> -> memref<248x128xf32, #tpu.memory_space<vmem>>
    %dma_start3A_638 = arith.constant 0 : i32
    %dma_start3A_639 = tpu.memref_slice %arg3[%dma_start3A_638, %add3A_634] : memref<1000x16384xf32, #tpu.memory_space<hbm>> -> memref<248x128xf32, #tpu.memory_space<hbm>>
    %dma_start3A_640 = arith.constant 0 : i32
    %dma_start3A_641 = tpu.memref_slice %arg3[%dma_start3A_640, %add3A_634] : memref<1000x16384xf32, #tpu.memory_space<hbm>> -> memref<248x128xf32, #tpu.memory_space<hbm>>
    %dma_start3A_642 = arith.constant 0 : i32
    %dma_start3A_643 = arith.constant 0 : i32
    %dma_start3A_644 = tpu.memref_slice %arg4[%dma_start3A_642, %dma_start3A_643] : memref<1000x128xf32, #tpu.memory_space<vmem>> -> memref<248x128xf32, #tpu.memory_space<vmem>>
    tpu.enqueue_dma source(%dma_start3A_644 : memref<248x128xf32, #tpu.memory_space<vmem>>) target(%dma_start3A_641 : memref<248x128xf32, #tpu.memory_space<hbm>>) target_semaphore(%arg6 : memref<!tpu.dma_semaphore, #tpu.memory_space<semaphore_mem>>)
    %add3A_645 = arith.constant 256 : i32
    %add3A_646 = arith.addi %mul3A_2, %add3A_645 : i32
    %dma_start3A_647 = arith.constant 248 : i32
    %dma_start3A_648 = arith.constant 0 : i32
    %dma_start3A_649 = tpu.memref_slice %arg4[%dma_start3A_647, %dma_start3A_648] : memref<1000x128xf32, #tpu.memory_space<vmem>> -> memref<256x128xf32, #tpu.memory_space<vmem>>
    %dma_start3A_650 = arith.constant 248 : i32
    %dma_start3A_651 = tpu.memref_slice %arg3[%dma_start3A_650, %add3A_646] : memref<1000x16384xf32, #tpu.memory_space<hbm>> -> memref<256x128xf32, #tpu.memory_space<hbm>>
    %dma_start3A_652 = arith.constant 248 : i32
    %dma_start3A_653 = tpu.memref_slice %arg3[%dma_start3A_652, %add3A_646] : memref<1000x16384xf32, #tpu.memory_space<hbm>> -> memref<256x128xf32, #tpu.memory_space<hbm>>
    %dma_start3A_654 = arith.constant 248 : i32
    %dma_start3A_655 = arith.constant 0 : i32
    %dma_start3A_656 = tpu.memref_slice %arg4[%dma_start3A_654, %dma_start3A_655] : memref<1000x128xf32, #tpu.memory_space<vmem>> -> memref<256x128xf32, #tpu.memory_space<vmem>>
    tpu.enqueue_dma source(%dma_start3A_656 : memref<256x128xf32, #tpu.memory_space<vmem>>) target(%dma_start3A_653 : memref<256x128xf32, #tpu.memory_space<hbm>>) target_semaphore(%arg7 : memref<!tpu.dma_semaphore, #tpu.memory_space<semaphore_mem>>)
    %add3A_657 = arith.constant 256 : i32
    %add3A_658 = arith.addi %mul3A_2, %add3A_657 : i32
    %dma_start3A_659 = arith.constant 504 : i32
    %dma_start3A_660 = arith.constant 0 : i32
    %dma_start3A_661 = tpu.memref_slice %arg4[%dma_start3A_659, %dma_start3A_660] : memref<1000x128xf32, #tpu.memory_space<vmem>> -> memref<248x128xf32, #tpu.memory_space<vmem>>
    %dma_start3A_662 = arith.constant 504 : i32
    %dma_start3A_663 = tpu.memref_slice %arg3[%dma_start3A_662, %add3A_658] : memref<1000x16384xf32, #tpu.memory_space<hbm>> -> memref<248x128xf32, #tpu.memory_space<hbm>>
    %dma_start3A_664 = arith.constant 504 : i32
    %dma_start3A_665 = tpu.memref_slice %arg3[%dma_start3A_664, %add3A_658] : memref<1000x16384xf32, #tpu.memory_space<hbm>> -> memref<248x128xf32, #tpu.memory_space<hbm>>
    %dma_start3A_666 = arith.constant 504 : i32
    %dma_start3A_667 = arith.constant 0 : i32
    %dma_start3A_668 = tpu.memref_slice %arg4[%dma_start3A_666, %dma_start3A_667] : memref<1000x128xf32, #tpu.memory_space<vmem>> -> memref<248x128xf32, #tpu.memory_space<vmem>>
    tpu.enqueue_dma source(%dma_start3A_668 : memref<248x128xf32, #tpu.memory_space<vmem>>) target(%dma_start3A_665 : memref<248x128xf32, #tpu.memory_space<hbm>>) target_semaphore(%arg8 : memref<!tpu.dma_semaphore, #tpu.memory_space<semaphore_mem>>)
    %add3A_669 = arith.constant 256 : i32
    %add3A_670 = arith.addi %mul3A_2, %add3A_669 : i32
    %dma_start3A_671 = arith.constant 752 : i32
    %dma_start3A_672 = arith.constant 0 : i32
    %dma_start3A_673 = tpu.memref_slice %arg4[%dma_start3A_671, %dma_start3A_672] : memref<1000x128xf32, #tpu.memory_space<vmem>> -> memref<248x128xf32, #tpu.memory_space<vmem>>
    %dma_start3A_674 = arith.constant 752 : i32
    %dma_start3A_675 = tpu.memref_slice %arg3[%dma_start3A_674, %add3A_670] : memref<1000x16384xf32, #tpu.memory_space<hbm>> -> memref<248x128xf32, #tpu.memory_space<hbm>>
    %dma_start3A_676 = arith.constant 752 : i32
    %dma_start3A_677 = tpu.memref_slice %arg3[%dma_start3A_676, %add3A_670] : memref<1000x16384xf32, #tpu.memory_space<hbm>> -> memref<248x128xf32, #tpu.memory_space<hbm>>
    %dma_start3A_678 = arith.constant 752 : i32
    %dma_start3A_679 = arith.constant 0 : i32
    %dma_start3A_680 = tpu.memref_slice %arg4[%dma_start3A_678, %dma_start3A_679] : memref<1000x128xf32, #tpu.memory_space<vmem>> -> memref<248x128xf32, #tpu.memory_space<vmem>>
    tpu.enqueue_dma source(%dma_start3A_680 : memref<248x128xf32, #tpu.memory_space<vmem>>) target(%dma_start3A_677 : memref<248x128xf32, #tpu.memory_space<hbm>>) target_semaphore(%arg6 : memref<!tpu.dma_semaphore, #tpu.memory_space<semaphore_mem>>)
    %add3A_681 = arith.constant 256 : i32
    %add3A_682 = arith.addi %mul3A_2, %add3A_681 : i32
    %dma_wait3A_683 = arith.constant 0 : i32
    %dma_wait3A_684 = arith.constant 0 : i32
    %dma_wait3A_685 = tpu.memref_slice %arg4[%dma_wait3A_683, %dma_wait3A_684] : memref<1000x128xf32, #tpu.memory_space<vmem>> -> memref<248x128xf32, #tpu.memory_space<vmem>>
    %dma_wait3A_686 = arith.constant 0 : i32
    %dma_wait3A_687 = tpu.memref_slice %arg3[%dma_wait3A_686, %add3A_682] : memref<1000x16384xf32, #tpu.memory_space<hbm>> -> memref<248x128xf32, #tpu.memory_space<hbm>>
    %dma_wait3A_688 = arith.constant 0 : i32
    %dma_wait3A_689 = tpu.memref_slice %arg3[%dma_wait3A_688, %add3A_682] : memref<1000x16384xf32, #tpu.memory_space<hbm>> -> memref<248x128xf32, #tpu.memory_space<hbm>>
    %dma_wait3A_690 = arith.constant 0 : i32
    %dma_wait3A_691 = arith.constant 0 : i32
    %dma_wait3A_692 = tpu.memref_slice %arg4[%dma_wait3A_690, %dma_wait3A_691] : memref<1000x128xf32, #tpu.memory_space<vmem>> -> memref<248x128xf32, #tpu.memory_space<vmem>>
    tpu.wait_dma2 semaphore(%arg6 : memref<!tpu.dma_semaphore, #tpu.memory_space<semaphore_mem>>) src(%dma_wait3A_692 : memref<248x128xf32, #tpu.memory_space<vmem>>) dst(%dma_wait3A_689 : memref<248x128xf32, #tpu.memory_space<hbm>>)
    %add3A_693 = arith.constant 256 : i32
    %add3A_694 = arith.addi %mul3A_2, %add3A_693 : i32
    %dma_wait3A_695 = arith.constant 248 : i32
    %dma_wait3A_696 = arith.constant 0 : i32
    %dma_wait3A_697 = tpu.memref_slice %arg4[%dma_wait3A_695, %dma_wait3A_696] : memref<1000x128xf32, #tpu.memory_space<vmem>> -> memref<256x128xf32, #tpu.memory_space<vmem>>
    %dma_wait3A_698 = arith.constant 248 : i32
    %dma_wait3A_699 = tpu.memref_slice %arg3[%dma_wait3A_698, %add3A_694] : memref<1000x16384xf32, #tpu.memory_space<hbm>> -> memref<256x128xf32, #tpu.memory_space<hbm>>
    %dma_wait3A_700 = arith.constant 248 : i32
    %dma_wait3A_701 = tpu.memref_slice %arg3[%dma_wait3A_700, %add3A_694] : memref<1000x16384xf32, #tpu.memory_space<hbm>> -> memref<256x128xf32, #tpu.memory_space<hbm>>
    %dma_wait3A_702 = arith.constant 248 : i32
    %dma_wait3A_703 = arith.constant 0 : i32
    %dma_wait3A_704 = tpu.memref_slice %arg4[%dma_wait3A_702, %dma_wait3A_703] : memref<1000x128xf32, #tpu.memory_space<vmem>> -> memref<256x128xf32, #tpu.memory_space<vmem>>
    tpu.wait_dma2 semaphore(%arg7 : memref<!tpu.dma_semaphore, #tpu.memory_space<semaphore_mem>>) src(%dma_wait3A_704 : memref<256x128xf32, #tpu.memory_space<vmem>>) dst(%dma_wait3A_701 : memref<256x128xf32, #tpu.memory_space<hbm>>)
    %add3A_705 = arith.constant 256 : i32
    %add3A_706 = arith.addi %mul3A_2, %add3A_705 : i32
    %dma_wait3A_707 = arith.constant 504 : i32
    %dma_wait3A_708 = arith.constant 0 : i32
    %dma_wait3A_709 = tpu.memref_slice %arg4[%dma_wait3A_707, %dma_wait3A_708] : memref<1000x128xf32, #tpu.memory_space<vmem>> -> memref<248x128xf32, #tpu.memory_space<vmem>>
    %dma_wait3A_710 = arith.constant 504 : i32
    %dma_wait3A_711 = tpu.memref_slice %arg3[%dma_wait3A_710, %add3A_706] : memref<1000x16384xf32, #tpu.memory_space<hbm>> -> memref<248x128xf32, #tpu.memory_space<hbm>>
    %dma_wait3A_712 = arith.constant 504 : i32
    %dma_wait3A_713 = tpu.memref_slice %arg3[%dma_wait3A_712, %add3A_706] : memref<1000x16384xf32, #tpu.memory_space<hbm>> -> memref<248x128xf32, #tpu.memory_space<hbm>>
    %dma_wait3A_714 = arith.constant 504 : i32
    %dma_wait3A_715 = arith.constant 0 : i32
    %dma_wait3A_716 = tpu.memref_slice %arg4[%dma_wait3A_714, %dma_wait3A_715] : memref<1000x128xf32, #tpu.memory_space<vmem>> -> memref<248x128xf32, #tpu.memory_space<vmem>>
    tpu.wait_dma2 semaphore(%arg8 : memref<!tpu.dma_semaphore, #tpu.memory_space<semaphore_mem>>) src(%dma_wait3A_716 : memref<248x128xf32, #tpu.memory_space<vmem>>) dst(%dma_wait3A_713 : memref<248x128xf32, #tpu.memory_space<hbm>>)
    %add3A_717 = arith.constant 256 : i32
    %add3A_718 = arith.addi %mul3A_2, %add3A_717 : i32
    %dma_wait3A_719 = arith.constant 752 : i32
    %dma_wait3A_720 = arith.constant 0 : i32
    %dma_wait3A_721 = tpu.memref_slice %arg4[%dma_wait3A_719, %dma_wait3A_720] : memref<1000x128xf32, #tpu.memory_space<vmem>> -> memref<248x128xf32, #tpu.memory_space<vmem>>
    %dma_wait3A_722 = arith.constant 752 : i32
    %dma_wait3A_723 = tpu.memref_slice %arg3[%dma_wait3A_722, %add3A_718] : memref<1000x16384xf32, #tpu.memory_space<hbm>> -> memref<248x128xf32, #tpu.memory_space<hbm>>
    %dma_wait3A_724 = arith.constant 752 : i32
    %dma_wait3A_725 = tpu.memref_slice %arg3[%dma_wait3A_724, %add3A_718] : memref<1000x16384xf32, #tpu.memory_space<hbm>> -> memref<248x128xf32, #tpu.memory_space<hbm>>
    %dma_wait3A_726 = arith.constant 752 : i32
    %dma_wait3A_727 = arith.constant 0 : i32
    %dma_wait3A_728 = tpu.memref_slice %arg4[%dma_wait3A_726, %dma_wait3A_727] : memref<1000x128xf32, #tpu.memory_space<vmem>> -> memref<248x128xf32, #tpu.memory_space<vmem>>
    tpu.wait_dma2 semaphore(%arg6 : memref<!tpu.dma_semaphore, #tpu.memory_space<semaphore_mem>>) src(%dma_wait3A_728 : memref<248x128xf32, #tpu.memory_space<vmem>>) dst(%dma_wait3A_725 : memref<248x128xf32, #tpu.memory_space<hbm>>)
    %get3A_729 = arith.constant 256 : index
    %get3A_730 = tpu.vector_load %arg5[%get3A_729] {strides = array<i32>} : memref<512xi32, #tpu.memory_space<vmem>>, vector<16xi32>,
    %add3A_731 = arith.constant 0 : i32
    %add3A_732 = vector.broadcast %add3A_731 : i32 to vector<16xi32>
    %add3A_733 = arith.addi %add3A_732, %iota3A : vector<16xi32>
    %get3A_734 = arith.constant 272 : index
    %get3A_735 = tpu.vector_load %arg5[%get3A_734] {strides = array<i32>} : memref<512xi32, #tpu.memory_space<vmem>>, vector<16xi32>,
    %add3A_736 = arith.constant 16 : i32
    %add3A_737 = vector.broadcast %add3A_736 : i32 to vector<16xi32>
    %add3A_738 = arith.addi %add3A_737, %iota3A : vector<16xi32>
    %get3A_739 = arith.constant 288 : index
    %get3A_740 = tpu.vector_load %arg5[%get3A_739] {strides = array<i32>} : memref<512xi32, #tpu.memory_space<vmem>>, vector<16xi32>,
    %add3A_741 = arith.constant 32 : i32
    %add3A_742 = vector.broadcast %add3A_741 : i32 to vector<16xi32>
    %add3A_743 = arith.addi %add3A_742, %iota3A : vector<16xi32>
    %get3A_744 = arith.constant 304 : index
    %get3A_745 = tpu.vector_load %arg5[%get3A_744] {strides = array<i32>} : memref<512xi32, #tpu.memory_space<vmem>>, vector<16xi32>,
    %add3A_746 = arith.constant 48 : i32
    %add3A_747 = vector.broadcast %add3A_746 : i32 to vector<16xi32>
    %add3A_748 = arith.addi %add3A_747, %iota3A : vector<16xi32>
    %get3A_749 = arith.constant 320 : index
    %get3A_750 = tpu.vector_load %arg5[%get3A_749] {strides = array<i32>} : memref<512xi32, #tpu.memory_space<vmem>>, vector<16xi32>,
    %add3A_751 = arith.constant 64 : i32
    %add3A_752 = vector.broadcast %add3A_751 : i32 to vector<16xi32>
    %add3A_753 = arith.addi %add3A_752, %iota3A : vector<16xi32>
    %get3A_754 = arith.constant 336 : index
    %get3A_755 = tpu.vector_load %arg5[%get3A_754] {strides = array<i32>} : memref<512xi32, #tpu.memory_space<vmem>>, vector<16xi32>,
    %add3A_756 = arith.constant 80 : i32
    %add3A_757 = vector.broadcast %add3A_756 : i32 to vector<16xi32>
    %add3A_758 = arith.addi %add3A_757, %iota3A : vector<16xi32>
    %get3A_759 = arith.constant 352 : index
    %get3A_760 = tpu.vector_load %arg5[%get3A_759] {strides = array<i32>} : memref<512xi32, #tpu.memory_space<vmem>>, vector<16xi32>,
    %add3A_761 = arith.constant 96 : i32
    %add3A_762 = vector.broadcast %add3A_761 : i32 to vector<16xi32>
    %add3A_763 = arith.addi %add3A_762, %iota3A : vector<16xi32>
    %get3A_764 = arith.constant 368 : index
    %get3A_765 = tpu.vector_load %arg5[%get3A_764] {strides = array<i32>} : memref<512xi32, #tpu.memory_space<vmem>>, vector<16xi32>,
    %add3A_766 = arith.constant 112 : i32
    %add3A_767 = vector.broadcast %add3A_766 : i32 to vector<16xi32>
    %add3A_768 = arith.addi %add3A_767, %iota3A : vector<16xi32>
    tpu.vector_store_idx %arg4[%get3A_730, %add3A_733], %broadcast_in_dim3A_3 : memref<1000x128xf32, #tpu.memory_space<vmem>>[vector<16xi32>, vector<16xi32>], vector<16xf32>,
    tpu.vector_store_idx %arg4[%get3A_735, %add3A_738], %broadcast_in_dim3A_3 : memref<1000x128xf32, #tpu.memory_space<vmem>>[vector<16xi32>, vector<16xi32>], vector<16xf32>,
    tpu.vector_store_idx %arg4[%get3A_740, %add3A_743], %broadcast_in_dim3A_3 : memref<1000x128xf32, #tpu.memory_space<vmem>>[vector<16xi32>, vector<16xi32>], vector<16xf32>,
    tpu.vector_store_idx %arg4[%get3A_745, %add3A_748], %broadcast_in_dim3A_3 : memref<1000x128xf32, #tpu.memory_space<vmem>>[vector<16xi32>, vector<16xi32>], vector<16xf32>,
    tpu.vector_store_idx %arg4[%get3A_750, %add3A_753], %broadcast_in_dim3A_3 : memref<1000x128xf32, #tpu.memory_space<vmem>>[vector<16xi32>, vector<16xi32>], vector<16xf32>,
    tpu.vector_store_idx %arg4[%get3A_755, %add3A_758], %broadcast_in_dim3A_3 : memref<1000x128xf32, #tpu.memory_space<vmem>>[vector<16xi32>, vector<16xi32>], vector<16xf32>,
    tpu.vector_store_idx %arg4[%get3A_760, %add3A_763], %broadcast_in_dim3A_3 : memref<1000x128xf32, #tpu.memory_space<vmem>>[vector<16xi32>, vector<16xi32>], vector<16xf32>,
    tpu.vector_store_idx %arg4[%get3A_765, %add3A_768], %broadcast_in_dim3A_3 : memref<1000x128xf32, #tpu.memory_space<vmem>>[vector<16xi32>, vector<16xi32>], vector<16xf32>,
    %get3A_769 = arith.constant 384 : index
    %get3A_770 = tpu.vector_load %arg5[%get3A_769] {strides = array<i32>} : memref<512xi32, #tpu.memory_space<vmem>>, vector<16xi32>,
    %add3A_771 = arith.constant 0 : i32
    %add3A_772 = vector.broadcast %add3A_771 : i32 to vector<16xi32>
    %add3A_773 = arith.addi %add3A_772, %iota3A : vector<16xi32>
    %get3A_774 = arith.constant 400 : index
    %get3A_775 = tpu.vector_load %arg5[%get3A_774] {strides = array<i32>} : memref<512xi32, #tpu.memory_space<vmem>>, vector<16xi32>,
    %add3A_776 = arith.constant 16 : i32
    %add3A_777 = vector.broadcast %add3A_776 : i32 to vector<16xi32>
    %add3A_778 = arith.addi %add3A_777, %iota3A : vector<16xi32>
    %get3A_779 = arith.constant 416 : index
    %get3A_780 = tpu.vector_load %arg5[%get3A_779] {strides = array<i32>} : memref<512xi32, #tpu.memory_space<vmem>>, vector<16xi32>,
    %add3A_781 = arith.constant 32 : i32
    %add3A_782 = vector.broadcast %add3A_781 : i32 to vector<16xi32>
    %add3A_783 = arith.addi %add3A_782, %iota3A : vector<16xi32>
    %get3A_784 = arith.constant 432 : index
    %get3A_785 = tpu.vector_load %arg5[%get3A_784] {strides = array<i32>} : memref<512xi32, #tpu.memory_space<vmem>>, vector<16xi32>,
    %add3A_786 = arith.constant 48 : i32
    %add3A_787 = vector.broadcast %add3A_786 : i32 to vector<16xi32>
    %add3A_788 = arith.addi %add3A_787, %iota3A : vector<16xi32>
    %get3A_789 = arith.constant 448 : index
    %get3A_790 = tpu.vector_load %arg5[%get3A_789] {strides = array<i32>} : memref<512xi32, #tpu.memory_space<vmem>>, vector<16xi32>,
    %add3A_791 = arith.constant 64 : i32
    %add3A_792 = vector.broadcast %add3A_791 : i32 to vector<16xi32>
    %add3A_793 = arith.addi %add3A_792, %iota3A : vector<16xi32>
    %get3A_794 = arith.constant 464 : index
    %get3A_795 = tpu.vector_load %arg5[%get3A_794] {strides = array<i32>} : memref<512xi32, #tpu.memory_space<vmem>>, vector<16xi32>,
    %add3A_796 = arith.constant 80 : i32
    %add3A_797 = vector.broadcast %add3A_796 : i32 to vector<16xi32>
    %add3A_798 = arith.addi %add3A_797, %iota3A : vector<16xi32>
    %get3A_799 = arith.constant 480 : index
    %get3A_800 = tpu.vector_load %arg5[%get3A_799] {strides = array<i32>} : memref<512xi32, #tpu.memory_space<vmem>>, vector<16xi32>,
    %add3A_801 = arith.constant 96 : i32
    %add3A_802 = vector.broadcast %add3A_801 : i32 to vector<16xi32>
    %add3A_803 = arith.addi %add3A_802, %iota3A : vector<16xi32>
    %get3A_804 = arith.constant 496 : index
    %get3A_805 = tpu.vector_load %arg5[%get3A_804] {strides = array<i32>} : memref<512xi32, #tpu.memory_space<vmem>>, vector<16xi32>,
    %add3A_806 = arith.constant 112 : i32
    %add3A_807 = vector.broadcast %add3A_806 : i32 to vector<16xi32>
    %add3A_808 = arith.addi %add3A_807, %iota3A : vector<16xi32>
    tpu.vector_store_idx %arg4[%get3A_770, %add3A_773], %broadcast_in_dim3A_5 : memref<1000x128xf32, #tpu.memory_space<vmem>>[vector<16xi32>, vector<16xi32>], vector<16xf32>,
    tpu.vector_store_idx %arg4[%get3A_775, %add3A_778], %broadcast_in_dim3A_5 : memref<1000x128xf32, #tpu.memory_space<vmem>>[vector<16xi32>, vector<16xi32>], vector<16xf32>,
    tpu.vector_store_idx %arg4[%get3A_780, %add3A_783], %broadcast_in_dim3A_5 : memref<1000x128xf32, #tpu.memory_space<vmem>>[vector<16xi32>, vector<16xi32>], vector<16xf32>,
    tpu.vector_store_idx %arg4[%get3A_785, %add3A_788], %broadcast_in_dim3A_5 : memref<1000x128xf32, #tpu.memory_space<vmem>>[vector<16xi32>, vector<16xi32>], vector<16xf32>,
    tpu.vector_store_idx %arg4[%get3A_790, %add3A_793], %broadcast_in_dim3A_5 : memref<1000x128xf32, #tpu.memory_space<vmem>>[vector<16xi32>, vector<16xi32>], vector<16xf32>,
    tpu.vector_store_idx %arg4[%get3A_795, %add3A_798], %broadcast_in_dim3A_5 : memref<1000x128xf32, #tpu.memory_space<vmem>>[vector<16xi32>, vector<16xi32>], vector<16xf32>,
    tpu.vector_store_idx %arg4[%get3A_800, %add3A_803], %broadcast_in_dim3A_5 : memref<1000x128xf32, #tpu.memory_space<vmem>>[vector<16xi32>, vector<16xi32>], vector<16xf32>,
    tpu.vector_store_idx %arg4[%get3A_805, %add3A_808], %broadcast_in_dim3A_5 : memref<1000x128xf32, #tpu.memory_space<vmem>>[vector<16xi32>, vector<16xi32>], vector<16xf32>,
    %add3A_809 = arith.constant 384 : i32
    %add3A_810 = arith.addi %mul3A_2, %add3A_809 : i32
    %dma_start3A_811 = arith.constant 0 : i32
    %dma_start3A_812 = arith.constant 0 : i32
    %dma_start3A_813 = tpu.memref_slice %arg4[%dma_start3A_811, %dma_start3A_812] : memref<1000x128xf32, #tpu.memory_space<vmem>> -> memref<248x128xf32, #tpu.memory_space<vmem>>
    %dma_start3A_814 = arith.constant 0 : i32
    %dma_start3A_815 = tpu.memref_slice %arg3[%dma_start3A_814, %add3A_810] : memref<1000x16384xf32, #tpu.memory_space<hbm>> -> memref<248x128xf32, #tpu.memory_space<hbm>>
    %dma_start3A_816 = arith.constant 0 : i32
    %dma_start3A_817 = tpu.memref_slice %arg3[%dma_start3A_816, %add3A_810] : memref<1000x16384xf32, #tpu.memory_space<hbm>> -> memref<248x128xf32, #tpu.memory_space<hbm>>
    %dma_start3A_818 = arith.constant 0 : i32
    %dma_start3A_819 = arith.constant 0 : i32
    %dma_start3A_820 = tpu.memref_slice %arg4[%dma_start3A_818, %dma_start3A_819] : memref<1000x128xf32, #tpu.memory_space<vmem>> -> memref<248x128xf32, #tpu.memory_space<vmem>>
    tpu.enqueue_dma source(%dma_start3A_820 : memref<248x128xf32, #tpu.memory_space<vmem>>) target(%dma_start3A_817 : memref<248x128xf32, #tpu.memory_space<hbm>>) target_semaphore(%arg6 : memref<!tpu.dma_semaphore, #tpu.memory_space<semaphore_mem>>)
    %add3A_821 = arith.constant 384 : i32
    %add3A_822 = arith.addi %mul3A_2, %add3A_821 : i32
    %dma_start3A_823 = arith.constant 248 : i32
    %dma_start3A_824 = arith.constant 0 : i32
    %dma_start3A_825 = tpu.memref_slice %arg4[%dma_start3A_823, %dma_start3A_824] : memref<1000x128xf32, #tpu.memory_space<vmem>> -> memref<256x128xf32, #tpu.memory_space<vmem>>
    %dma_start3A_826 = arith.constant 248 : i32
    %dma_start3A_827 = tpu.memref_slice %arg3[%dma_start3A_826, %add3A_822] : memref<1000x16384xf32, #tpu.memory_space<hbm>> -> memref<256x128xf32, #tpu.memory_space<hbm>>
    %dma_start3A_828 = arith.constant 248 : i32
    %dma_start3A_829 = tpu.memref_slice %arg3[%dma_start3A_828, %add3A_822] : memref<1000x16384xf32, #tpu.memory_space<hbm>> -> memref<256x128xf32, #tpu.memory_space<hbm>>
    %dma_start3A_830 = arith.constant 248 : i32
    %dma_start3A_831 = arith.constant 0 : i32
    %dma_start3A_832 = tpu.memref_slice %arg4[%dma_start3A_830, %dma_start3A_831] : memref<1000x128xf32, #tpu.memory_space<vmem>> -> memref<256x128xf32, #tpu.memory_space<vmem>>
    tpu.enqueue_dma source(%dma_start3A_832 : memref<256x128xf32, #tpu.memory_space<vmem>>) target(%dma_start3A_829 : memref<256x128xf32, #tpu.memory_space<hbm>>) target_semaphore(%arg7 : memref<!tpu.dma_semaphore, #tpu.memory_space<semaphore_mem>>)
    %add3A_833 = arith.constant 384 : i32
    %add3A_834 = arith.addi %mul3A_2, %add3A_833 : i32
    %dma_start3A_835 = arith.constant 504 : i32
    %dma_start3A_836 = arith.constant 0 : i32
    %dma_start3A_837 = tpu.memref_slice %arg4[%dma_start3A_835, %dma_start3A_836] : memref<1000x128xf32, #tpu.memory_space<vmem>> -> memref<248x128xf32, #tpu.memory_space<vmem>>
    %dma_start3A_838 = arith.constant 504 : i32
    %dma_start3A_839 = tpu.memref_slice %arg3[%dma_start3A_838, %add3A_834] : memref<1000x16384xf32, #tpu.memory_space<hbm>> -> memref<248x128xf32, #tpu.memory_space<hbm>>
    %dma_start3A_840 = arith.constant 504 : i32
    %dma_start3A_841 = tpu.memref_slice %arg3[%dma_start3A_840, %add3A_834] : memref<1000x16384xf32, #tpu.memory_space<hbm>> -> memref<248x128xf32, #tpu.memory_space<hbm>>
    %dma_start3A_842 = arith.constant 504 : i32
    %dma_start3A_843 = arith.constant 0 : i32
    %dma_start3A_844 = tpu.memref_slice %arg4[%dma_start3A_842, %dma_start3A_843] : memref<1000x128xf32, #tpu.memory_space<vmem>> -> memref<248x128xf32, #tpu.memory_space<vmem>>
    tpu.enqueue_dma source(%dma_start3A_844 : memref<248x128xf32, #tpu.memory_space<vmem>>) target(%dma_start3A_841 : memref<248x128xf32, #tpu.memory_space<hbm>>) target_semaphore(%arg8 : memref<!tpu.dma_semaphore, #tpu.memory_space<semaphore_mem>>)
    %add3A_845 = arith.constant 384 : i32
    %add3A_846 = arith.addi %mul3A_2, %add3A_845 : i32
    %dma_start3A_847 = arith.constant 752 : i32
    %dma_start3A_848 = arith.constant 0 : i32
    %dma_start3A_849 = tpu.memref_slice %arg4[%dma_start3A_847, %dma_start3A_848] : memref<1000x128xf32, #tpu.memory_space<vmem>> -> memref<248x128xf32, #tpu.memory_space<vmem>>
    %dma_start3A_850 = arith.constant 752 : i32
    %dma_start3A_851 = tpu.memref_slice %arg3[%dma_start3A_850, %add3A_846] : memref<1000x16384xf32, #tpu.memory_space<hbm>> -> memref<248x128xf32, #tpu.memory_space<hbm>>
    %dma_start3A_852 = arith.constant 752 : i32
    %dma_start3A_853 = tpu.memref_slice %arg3[%dma_start3A_852, %add3A_846] : memref<1000x16384xf32, #tpu.memory_space<hbm>> -> memref<248x128xf32, #tpu.memory_space<hbm>>
    %dma_start3A_854 = arith.constant 752 : i32
    %dma_start3A_855 = arith.constant 0 : i32
    %dma_start3A_856 = tpu.memref_slice %arg4[%dma_start3A_854, %dma_start3A_855] : memref<1000x128xf32, #tpu.memory_space<vmem>> -> memref<248x128xf32, #tpu.memory_space<vmem>>
    tpu.enqueue_dma source(%dma_start3A_856 : memref<248x128xf32, #tpu.memory_space<vmem>>) target(%dma_start3A_853 : memref<248x128xf32, #tpu.memory_space<hbm>>) target_semaphore(%arg6 : memref<!tpu.dma_semaphore, #tpu.memory_space<semaphore_mem>>)
    %add3A_857 = arith.constant 384 : i32
    %add3A_858 = arith.addi %mul3A_2, %add3A_857 : i32
    %dma_wait3A_859 = arith.constant 0 : i32
    %dma_wait3A_860 = arith.constant 0 : i32
    %dma_wait3A_861 = tpu.memref_slice %arg4[%dma_wait3A_859, %dma_wait3A_860] : memref<1000x128xf32, #tpu.memory_space<vmem>> -> memref<248x128xf32, #tpu.memory_space<vmem>>
    %dma_wait3A_862 = arith.constant 0 : i32
    %dma_wait3A_863 = tpu.memref_slice %arg3[%dma_wait3A_862, %add3A_858] : memref<1000x16384xf32, #tpu.memory_space<hbm>> -> memref<248x128xf32, #tpu.memory_space<hbm>>
    %dma_wait3A_864 = arith.constant 0 : i32
    %dma_wait3A_865 = tpu.memref_slice %arg3[%dma_wait3A_864, %add3A_858] : memref<1000x16384xf32, #tpu.memory_space<hbm>> -> memref<248x128xf32, #tpu.memory_space<hbm>>
    %dma_wait3A_866 = arith.constant 0 : i32
    %dma_wait3A_867 = arith.constant 0 : i32
    %dma_wait3A_868 = tpu.memref_slice %arg4[%dma_wait3A_866, %dma_wait3A_867] : memref<1000x128xf32, #tpu.memory_space<vmem>> -> memref<248x128xf32, #tpu.memory_space<vmem>>
    tpu.wait_dma2 semaphore(%arg6 : memref<!tpu.dma_semaphore, #tpu.memory_space<semaphore_mem>>) src(%dma_wait3A_868 : memref<248x128xf32, #tpu.memory_space<vmem>>) dst(%dma_wait3A_865 : memref<248x128xf32, #tpu.memory_space<hbm>>)
    %add3A_869 = arith.constant 384 : i32
    %add3A_870 = arith.addi %mul3A_2, %add3A_869 : i32
    %dma_wait3A_871 = arith.constant 248 : i32
    %dma_wait3A_872 = arith.constant 0 : i32
    %dma_wait3A_873 = tpu.memref_slice %arg4[%dma_wait3A_871, %dma_wait3A_872] : memref<1000x128xf32, #tpu.memory_space<vmem>> -> memref<256x128xf32, #tpu.memory_space<vmem>>
    %dma_wait3A_874 = arith.constant 248 : i32
    %dma_wait3A_875 = tpu.memref_slice %arg3[%dma_wait3A_874, %add3A_870] : memref<1000x16384xf32, #tpu.memory_space<hbm>> -> memref<256x128xf32, #tpu.memory_space<hbm>>
    %dma_wait3A_876 = arith.constant 248 : i32
    %dma_wait3A_877 = tpu.memref_slice %arg3[%dma_wait3A_876, %add3A_870] : memref<1000x16384xf32, #tpu.memory_space<hbm>> -> memref<256x128xf32, #tpu.memory_space<hbm>>
    %dma_wait3A_878 = arith.constant 248 : i32
    %dma_wait3A_879 = arith.constant 0 : i32
    %dma_wait3A_880 = tpu.memref_slice %arg4[%dma_wait3A_878, %dma_wait3A_879] : memref<1000x128xf32, #tpu.memory_space<vmem>> -> memref<256x128xf32, #tpu.memory_space<vmem>>
    tpu.wait_dma2 semaphore(%arg7 : memref<!tpu.dma_semaphore, #tpu.memory_space<semaphore_mem>>) src(%dma_wait3A_880 : memref<256x128xf32, #tpu.memory_space<vmem>>) dst(%dma_wait3A_877 : memref<256x128xf32, #tpu.memory_space<hbm>>)
    %add3A_881 = arith.constant 384 : i32
    %add3A_882 = arith.addi %mul3A_2, %add3A_881 : i32
    %dma_wait3A_883 = arith.constant 504 : i32
    %dma_wait3A_884 = arith.constant 0 : i32
    %dma_wait3A_885 = tpu.memref_slice %arg4[%dma_wait3A_883, %dma_wait3A_884] : memref<1000x128xf32, #tpu.memory_space<vmem>> -> memref<248x128xf32, #tpu.memory_space<vmem>>
    %dma_wait3A_886 = arith.constant 504 : i32
    %dma_wait3A_887 = tpu.memref_slice %arg3[%dma_wait3A_886, %add3A_882] : memref<1000x16384xf32, #tpu.memory_space<hbm>> -> memref<248x128xf32, #tpu.memory_space<hbm>>
    %dma_wait3A_888 = arith.constant 504 : i32
    %dma_wait3A_889 = tpu.memref_slice %arg3[%dma_wait3A_888, %add3A_882] : memref<1000x16384xf32, #tpu.memory_space<hbm>> -> memref<248x128xf32, #tpu.memory_space<hbm>>
    %dma_wait3A_890 = arith.constant 504 : i32
    %dma_wait3A_891 = arith.constant 0 : i32
    %dma_wait3A_892 = tpu.memref_slice %arg4[%dma_wait3A_890, %dma_wait3A_891] : memref<1000x128xf32, #tpu.memory_space<vmem>> -> memref<248x128xf32, #tpu.memory_space<vmem>>
    tpu.wait_dma2 semaphore(%arg8 : memref<!tpu.dma_semaphore, #tpu.memory_space<semaphore_mem>>) src(%dma_wait3A_892 : memref<248x128xf32, #tpu.memory_space<vmem>>) dst(%dma_wait3A_889 : memref<248x128xf32, #tpu.memory_space<hbm>>)
    %add3A_893 = arith.constant 384 : i32
    %add3A_894 = arith.addi %mul3A_2, %add3A_893 : i32
    %dma_wait3A_895 = arith.constant 752 : i32
    %dma_wait3A_896 = arith.constant 0 : i32
    %dma_wait3A_897 = tpu.memref_slice %arg4[%dma_wait3A_895, %dma_wait3A_896] : memref<1000x128xf32, #tpu.memory_space<vmem>> -> memref<248x128xf32, #tpu.memory_space<vmem>>
    %dma_wait3A_898 = arith.constant 752 : i32
    %dma_wait3A_899 = tpu.memref_slice %arg3[%dma_wait3A_898, %add3A_894] : memref<1000x16384xf32, #tpu.memory_space<hbm>> -> memref<248x128xf32, #tpu.memory_space<hbm>>
    %dma_wait3A_900 = arith.constant 752 : i32
    %dma_wait3A_901 = tpu.memref_slice %arg3[%dma_wait3A_900, %add3A_894] : memref<1000x16384xf32, #tpu.memory_space<hbm>> -> memref<248x128xf32, #tpu.memory_space<hbm>>
    %dma_wait3A_902 = arith.constant 752 : i32
    %dma_wait3A_903 = arith.constant 0 : i32
    %dma_wait3A_904 = tpu.memref_slice %arg4[%dma_wait3A_902, %dma_wait3A_903] : memref<1000x128xf32, #tpu.memory_space<vmem>> -> memref<248x128xf32, #tpu.memory_space<vmem>>
    tpu.wait_dma2 semaphore(%arg6 : memref<!tpu.dma_semaphore, #tpu.memory_space<semaphore_mem>>) src(%dma_wait3A_904 : memref<248x128xf32, #tpu.memory_space<vmem>>) dst(%dma_wait3A_901 : memref<248x128xf32, #tpu.memory_space<hbm>>)
    return
  }
}

</mosaic_0001>

<sc_bundles>
// kernel: kernel.3.cloned.1.call-start
scs
__scs_entry_jumppad:
0x0: {  	(pc) =	sbr.rel $0x88, $3  }
0x1: {  	(tag) =	ssettag $0x0;
	lr =	simm.s32 $0x1  }
0x2: {  	[smem:$0x3FA0] =	sst lr;
	_ =	strace $0xD0000000  }
0x3: {  	_ = 	snop  }
0x4: {  	_ = 	snop  }
0x5: {  	_ = 	snop  }
0x6: {  	_ = 	snop  }
0x7: {  	_ = 	snop  }
__scs_overlays_trampoline_lowered:
0x8: {  	[smem:$0x3FAF] =	sst s0  }
0x9: {  	[smem:$0x3FB0] =	sst s1  }
0xa: {  	[smem:$0x3FB1] =	sst s2  }
0xb: {  	[smem:$0x3FB2] =	sst s3  }
0xc: {  	[smem:$0x3FB3] =	sst s4  }
0xd: {  	[smem:$0x3FB4] =	sst s5  }
0xe: {  	[smem:$0x3FB5] =	sst s6  }
0xf: {  	[smem:$0x3FB6] =	sst s7  }
0x10: {  	[smem:$0x3FB7] =	sst s8  }
0x11: {  	[smem:$0x3FB8] =	sst s9;
	s0 =	simm.s32 @!p0 $0x0  }
0x12: {  	s1 =	sld [smem:$0x3F9E];
	s0 =	simm.s32 @p0 $0x1  }
0x13: {  	[smem:$0x3FB9] =	sst s0;
	s0 =	simm.s32 @!p1 $0x0  }
0x14: {  	s2 =	sld [smem:$0x3F9D];
	s0 =	simm.s32 @p1 $0x1  }
0x15: {  	[smem:$0x3FBA] =	sst s0;
	s0 =	simm.s32 @!p2 $0x0  }
0x16: {  	s3 =	sld [smem:$0x3FDB];
	s0 =	simm.s32 @p2 $0x1  }
0x17: {  	s4 =	simm.s32 $0x1BF5;
	[smem:$0x3FBC] =	sst s0  }
0x18: {  	s0 =	sld [smem:$0x3F9F];
	_ =	swait.ge [sflag:s4], $0x0  }
0x19: {  	s7 =	sld [smem:$0x3FA0]  }
0x1a: {  	s8 =	sadd.s32 $0xFFFFE003, lr  }
0x1b: {  	s9 =	sadd.s32 $0xFFFFFEF7, lr;
	s5 =	simm.s32 $0xFFFFFFFF;
	p2 =	slt.u32 s8, $0xFFFFF086  }
0x1c: {  	p1 =	slt.u32 s9, $0xF7A;
	s5 =	simm.s32 @!p2 $0x0  }
0x1d: {  	s5 =	simm.s32 @p1 $0x1;
	p0 =	seq.s32 s7, s2  }
0x1e: {  	s7 =	smul.u32 @!p0 $0xF7A, s2;
	p2 =	seq.s32 @!p0 s5, $0x0  }
0x1f: {  	s9 =	smul.u32 $0xF7A, s1;
	s8 =	simm.s32 @!p0 $0x1BF5;
	p2 =	por !p2, p0  }
0x20: {  	[sflag:s8] =	ssyncset.s32 @!p0 $0xFFFFF086;
	s6 =	sadd.s32 @!p0 s3, s7;
	s7 =	simm.s32 @!p0 $0x108  }
0x21: {  	s3 =	sadd.s32 s3, s9;
	s6 =	sadd.s32 @!p0 $0x88, s6;
	s7 =	simm.s32 @p2 $0x1082  }
0x22: {  	[simem:s7], [sflag:s8] =	dma.local @!p0 [hbm:s6], $0xF7A  }
0x23: {  	s9 =	sor.u32 $0xD0000000, s2;
	s6 =	simm.s32 $0x108;
	_ =	swait.ge @!p0 [sflag:s8], $0x0  }
0x24: {  	s3 =	sadd.s32 $0x88, s3;
	s6 =	simm.s32 @!p1 $0x1082;
	[sflag:s4] =	ssyncset.s32 $0xFFFFF086  }
0x25: {  	[simem:s6], [sflag:s4] =	dma.local [hbm:s3], $0xF7A  }
0x26: {  	[smem:$0x3FA0] =	sst s1;
	(tag) =	ssettag s2;
	_ =	strace s9  }
0x27: {  	s1 =	sld [smem:$0x3FB0]  }
0x28: {  	s2 =	sld [smem:$0x3FB1]  }
0x29: {  	s4 =	sld [smem:$0x3FB3]  }
0x2a: {  	p0 =	seq.s32 s5, $0x0;
	s5 =	sld [smem:$0x3FB4]  }
0x2b: {  	s6 =	sld [smem:$0x3FB5]  }
0x2c: {  	s7 =	sld [smem:$0x3FB6]  }
0x2d: {  	s3 =	simm.s32 $0x108;
	s8 =	sld [smem:$0x3FB7]  }
0x2e: {  	s3 =	simm.s32 @!p0 $0x1082;
	s9 =	sld [smem:$0x3FB8]  }
0x2f: {  	lr =	sadd.s32 s0, s3;
	s0 =	sld [smem:$0x3FAF]  }
0x30: {  	s3 =	sld [smem:$0x3FB2]  }
0x31: {  	[smem:$0x3FBB] =	sst s10  }
0x32: {  	s10 =	sld [smem:$0x3FB9];
	_ =	sdelay $0x3  }
0x33: {  	p0 =	seq.s32 s10, $0x1;
	s10 =	sld [smem:$0x3FBB];
	_ =	sdelay $0x3  }
0x34: {  	[smem:$0x3FBB] =	sst s10  }
0x35: {  	s10 =	sld [smem:$0x3FBA];
	_ =	sdelay $0x3  }
0x36: {  	p1 =	seq.s32 s10, $0x1;
	s10 =	sld [smem:$0x3FBB];
	_ =	sdelay $0x3  }
0x37: {  	[smem:$0x3FBB] =	sst s10  }
0x38: {  	s10 =	sld [smem:$0x3FBC]  }
0x39: {  	_ = 	snop;
	(pc) =	sbr.ind lr, $3  }
0x3a: {  	_ = 	snop  }
0x3b: {  	_ = 	snop  }
0x3c: {  	p2 =	seq.s32 s10, $0x1;
	s10 =	sld [smem:$0x3FBB]  }
0x3d: {  	_ =	shalt  }
0x3e: {  	_ =	shalt  }
0x3f: {  	_ =	shalt  }
0x40: {  	_ =	shalt  }
0x41: {  	_ =	shalt  }
0x42: {  	_ =	shalt  }
0x43: {  	_ =	shalt  }
0x44: {  	_ =	shalt  }
0x45: {  	_ =	shalt  }
0x46: {  	_ =	shalt  }
0x47: {  	_ =	shalt  }
0x48: {  	_ =	shalt  }
0x49: {  	_ =	shalt  }
0x4a: {  	_ =	shalt  }
0x4b: {  	_ =	shalt  }
0x4c: {  	_ =	shalt  }
0x4d: {  	_ =	shalt  }
0x4e: {  	_ =	shalt  }
0x4f: {  	_ =	shalt  }
0x50: {  	_ =	shalt  }
0x51: {  	_ =	shalt  }
0x52: {  	_ =	shalt  }
0x53: {  	_ =	shalt  }
0x54: {  	_ =	shalt  }
0x55: {  	_ =	shalt  }
0x56: {  	_ =	shalt  }
0x57: {  	_ =	shalt  }
0x58: {  	_ =	shalt  }
0x59: {  	_ =	shalt  }
0x5a: {  	_ =	shalt  }
0x5b: {  	_ =	shalt  }
0x5c: {  	_ =	shalt  }
0x5d: {  	_ =	shalt  }
0x5e: {  	_ =	shalt  }
0x5f: {  	_ =	shalt  }
0x60: {  	_ =	shalt  }
0x61: {  	_ =	shalt  }
0x62: {  	_ =	shalt  }
0x63: {  	_ =	shalt  }
0x64: {  	_ =	shalt  }
0x65: {  	_ =	shalt  }
0x66: {  	_ =	shalt  }
0x67: {  	_ =	shalt  }
0x68: {  	_ =	shalt  }
0x69: {  	_ =	shalt  }
0x6a: {  	_ =	shalt  }
0x6b: {  	_ =	shalt  }
0x6c: {  	_ =	shalt  }
0x6d: {  	_ =	shalt  }
0x6e: {  	_ =	shalt  }
0x6f: {  	_ =	shalt  }
0x70: {  	_ =	shalt  }
0x71: {  	_ =	shalt  }
0x72: {  	_ =	shalt  }
0x73: {  	_ =	shalt  }
0x74: {  	_ =	shalt  }
0x75: {  	_ =	shalt  }
0x76: {  	_ =	shalt  }
0x77: {  	_ =	shalt  }
0x78: {  	_ =	shalt  }
0x79: {  	_ =	shalt  }
0x7a: {  	_ =	shalt  }
0x7b: {  	_ =	shalt  }
0x7c: {  	_ =	shalt  }
0x7d: {  	_ =	shalt  }
0x7e: {  	_ =	shalt  }
0x7f: {  	_ =	shalt  }
0x80: {  	_ =	shalt  }
0x81: {  	_ =	shalt  }
0x82: {  	_ =	shalt  }
0x83: {  	_ =	shalt  }
0x84: {  	_ =	shalt  }
0x85: {  	_ =	shalt  }
0x86: {  	_ =	shalt  }
0x87: {  	_ =	shalt  }
.Lfunc_end0:
.L_simem_size_0:
called_computation_lowered:
.L_overlay_start_0:
0x88: {  	s2 =	sld [smem:$0x3FD9]  }
0x89: {  	s3 =	sld [smem:$0x3FFE];
	_ =	sdelay $0x1  }
0x8a: {  	s1 =	srdreg.scid  }
0x8b: {  	s0 =	sand.u32 $0x1, s1  }
0x8c: {  	s18 =	sshll.u32 s0, $0xA;
	s2 =	sadd.s32 s3, s2  }
0x8d: {  	s2 =	sadd.s32 s2, s18  }
0x8e: {  	[smem:$0x3FC7] =	sst s2  }
0x8f: {  	_ = 	snop  }
0x90: {  	s2 =	sld [smem:$0x3FC9]  }
0x91: {  	s19 =	sld [smem:$0x3FD0];
	(tm) =	ssettm $0x1  }
0x92: {  	s4 =	sld [smem:$0x3FFB];
	_ =	sdelay $0x3  }
0x93: {  	_ =	strace s4  }
0x94: {  	s4 =	sld [smem:$0x3FFC];
	_ =	sdelay $0x3  }
0x95: {  	_ =	strace s4  }
0x96: {  	s4 =	sld [smem:$0x3FFD];
	_ =	sdelay $0x3  }
0x97: {  	_ =	strace s4  }
0x98: {  	_ =	strace $0x8FFFFFFF  }
0x99: {  	s20 =	sld [smem:$0x3FDB];
	_ =	sdelay $0x1  }
0x9a: {  	s5 =	simm.s32 $_scs_section_size  }
0x9b: {  	s6 =	simm.s32 $_size__tile_overlayer_lowered;
	s7 =	simm.s32 $_tile_overlayer_lowered  }
0x9c: {  	s23 =	simm.s32 $0x1BFF;
	s22 =	sshll.u32 s7, $0x1;
	s4 =	sadd.s32 s5, s20  }
0x9d: {  	s8 =	simm.s32 $0x0;
	s21 =	sshll.u32 s6, $0x1;
	s6 =	sadd.s32 s22, s4  }
0x9e: {  	[timem:s8], [sflag:s23] =	dma.local [hbm:s6], s21  }
0x9f: {  	_ =	swait.ge [sflag:s23], s21  }
0xa0: {  	s5 =	ssub.s32 $0x0, s21;
	[sflag:s23] =	ssyncset.done $0x0  }
0xa1: {  	[sflag:s23] =	ssyncadd.s32 s5;
	_ =	sdelay $0x1  }
0xa2: {  	s24 =	simm.s32 $0x1B8B  }
0xa3: {  	_ =	swait.ge [sflag:s24], $0x1  }
0xa4: {  	[sflag:s24] =	ssyncset.done $0x0  }
0xa5: {  	s25 =	simm.s32 $0x1B8E;
	[sflag:s24] =	ssyncadd.s32 $0xFFFFFFFF  }
0xa6: {  	s26 =	simm.s32 $execute0_lowered;
	[smem:$0x3FD2] =	sst s25  }
0xa7: {  	s5 =	sshll.u32 s26, $0x1;
	_ =	strace $0x80000046;
	[dreg:$0x1] =	wrdreg $0xFFFFFFFF  }
0xa8: {  	s28 =	simm.s32 $_size_execute0_lowered;
	s4 =	sadd.s32 s4, s5;
	[dreg:$0x0] =	wrdreg $0x0  }
0xa9: {  	s5 =	sshll.u32 s28, $0x1;
	[dreg:$0x2] =	wrdreg s4  }
0xaa: {  	[dreg:$0x3] =	wrdreg s5  }
0xab: {  	[dreg:$0x4] =	wrdreg $0xC0  }
0xac: {  	_ =	task [dreg:s8], $0x5FFFF  }
0xad: {  	[dreg:$0x1] =	wrdreg $0xFFFFFFFF  }
0xae: {  	[dreg:$0x0] =	wrdreg $0x60  }
0xaf: {  	[dreg:$0x2] =	wrdreg s2  }
0xb0: {  	[dreg:$0x3] =	wrdreg s19  }
0xb1: {  	[dreg:$0x4] =	wrdreg $0x9  }
0xb2: {  	_ =	task.clear_ibuf [dreg:s8], $0x5FFFF;
	_ =	strace $0x90000046  }
0xb3: {  	s29 =	simm.s32 $0x9;
	_ =	strace $0x80000048  }
0xb4: {  	_ =	swait.ge [sflag:s29], $0x1  }
0xb5: {  	[sflag:s29] =	ssyncadd.s32 $0xFFFFFFFF  }
0xb6: {  	_ =	strace $0x90000048  }
0xb7: {  	_ =	sfence  }
0xb8: {  	s30 =	sld [smem:$0x0];
	_ =	sdelay $0x2  }
0xb9: {  	s31 =	sshll.u32 s1, $0xD;
	s1 =	sshrl.u32 s1, $0x2  }
0xba: {  	s3 =	sand.u32 $0x4000, s31;
	s1 =	sadd.s32 s1, s30  }
0xbb: {  	s0 =	sor.u32 s3, s0;
	s1 =	sshll.u32 s1, $0x11  }
0xbc: {  	s0 =	sor.u32 s1, s0  }
0xbd: {  	s0 =	sadd.s32 $0x8F2B, s0  }
0xbe: {  	[sflag:s0] =	ssyncadd.remote.s32 $0x1  }
0xbf: {  	_ =	sfence.sel $0xFFFF  }
0xc0: {  	[dreg:$0x0] =	wrdreg $0xFFFFFFFF;
	(pc) =	sbr.abs _section_cstart, $3  }
0xc1: {  	[dreg:$0x1] =	wrdreg $0xFFFFFFFF  }
0xc2: {  	_ =	task.clear_ibuf [dreg:s8], $0x2FFFF;
	_ =	strace $0x9FFFFFFF  }
0xc3: {  	(tm) =	ssettm $0x7FFFFFFF  }
tec
execute0_lowered:
.L_overlay_start_1:
0x0: {  	(tag) =	ssettag $0x1  }
0x1: {  	s0 =	rddreg [dreg:$0x0]  }
0x2: {  	s1 =	rddreg [dreg:$0x1];
	s2 =	simm.s32 $0x0;
	s3 =	srdreg.scid  }
0x3: {  	s5 =	stileid.u32;
	s20 =	simm.s32 $0x1F400;
	s21 =	simm.s32 $0x4  }
0x4: {  	s22 =	simm.s32 $0x400;
	s23 =	simm.s32 $0x20000;
	s24 =	simm.s32 $0x7C00  }
0x5: {  	s25 =	simm.s32 $0xFC00;
	s28 =	simm.s32 $0x2;
	s29 =	simm.s32 $0x3  }
0x6: {  	s30 =	simm.s32 $0x17800;
	[smem:$0x7FF] =	sst s2;
	s3 =	sand.u32 $0x1, s3  }
0x7: {  	s5 =	sshll.u32 s5, $0xA;
	s4 =	ssub.s32 $0x2, s3;
	s3 =	sshll.u32 s3, $0x9  }
0x8: {  	s31 =	simm.s32 $0x0;
	_ =	strace $0x80000047;
	s3 =	sor.u32 s3, s5  }
0x9: {  	s6 =	sshrl.u32 s4, $0x1;
	s26 =	sshrl.u32 s3, $0x3;
	s3 =	sadd.s32 s1, s3  }
0xa: {  	s19 =	ssub.s32 s4, s6;
	s4 =	sadd.s32 s0, s26;
	s5 =	sadd.s32 $0x7C000, s3  }
0xb: {  	s6 =	sadd.s32 $0xFC000, s3;
	s7 =	sadd.s32 $0x80, s3;
	s8 =	sadd.s32 $0x7C080, s3  }
0xc: {  	v0 =	vlaneseq.u32;
	s9 =	sadd.s32 $0xFC080, s3;
	s10 =	sadd.s32 $0x178080, s3;
	s11 =	sadd.s32 $0x100, s3  }
0xd: {  	v1 =	vimm.f32 $0.0e+00;
	v2 =	vimm.f32 $1.000000000e+00;
	v3 =	vor.u32 $0x10, v0;
	s12 =	sadd.s32 $0x7C100, s3;
	s13 =	sadd.s32 $0xFC100, s3;
	s14 =	sadd.s32 $0x178100, s3  }
0xe: {  	v4 =	vor.u32 $0x20, v0;
	v5 =	vor.u32 $0x30, v0;
	v6 =	vor.u32 $0x40, v0;
	s15 =	sadd.s32 $0x180, s3;
	s16 =	sadd.s32 $0x7C180, s3;
	s17 =	sadd.s32 $0xFC180, s3  }
0xf: {  	v7 =	vor.u32 $0x50, v0;
	v8 =	vor.u32 $0x60, v0;
	v9 =	vor.u32 $0x70, v0;
	s18 =	sadd.s32 $0x178180, s3;
	s19 =	smax.u32 s19, $0x1;
	s26 =	simm.s32 $0x1  }
.LBB2_1:
0x10: {  	[tilespmem:s20], [sflag:$0x4] =	stream.linear.gather [hbm4b:s4+s2], $0x200, $0x38;
	[tilespmem:$0x1F600] =	vst v63  }
0x11: {  	_ =	swait.ge [sflag:s21], $0x200  }
0x12: {  	[sflag:s21] =	ssyncset.done $0x0  }
0x13: {  	s0 =	simm.s32 $0x0;
	s1 =	simm.s32 $0x800;
	[sflag:s21] =	ssyncadd.s32 $0xFFFFFE00  }
.LBB2_2:
0x14: {  	p0 =	sne.s32 s1, $0x1E800;
	[tilespmem:s0+$0x1F0] =	vst v1  }
0x15: {  	[tilespmem:s0+$0x0] =	vst v1  }
0x16: {  	[tilespmem:s0+$0x10] =	vst v1  }
0x17: {  	[tilespmem:s0+$0x20] =	vst v1  }
0x18: {  	[tilespmem:s0+$0x30] =	vst v1  }
0x19: {  	[tilespmem:s0+$0x40] =	vst v1  }
0x1a: {  	[tilespmem:s0+$0x50] =	vst v1  }
0x1b: {  	[tilespmem:s0+$0x60] =	vst v1  }
0x1c: {  	[tilespmem:s0+$0x70] =	vst v1  }
0x1d: {  	[tilespmem:s0+$0x80] =	vst v1  }
0x1e: {  	[tilespmem:s0+$0x90] =	vst v1  }
0x1f: {  	[tilespmem:s0+$0xA0] =	vst v1  }
0x20: {  	[tilespmem:s0+$0xB0] =	vst v1  }
0x21: {  	[tilespmem:s0+$0xC0] =	vst v1  }
0x22: {  	[tilespmem:s0+$0xD0] =	vst v1  }
0x23: {  	[tilespmem:s0+$0xE0] =	vst v1  }
0x24: {  	[tilespmem:s0+$0xF0] =	vst v1  }
0x25: {  	[tilespmem:s0+$0x100] =	vst v1  }
0x26: {  	[tilespmem:s0+$0x110] =	vst v1  }
0x27: {  	[tilespmem:s0+$0x120] =	vst v1  }
0x28: {  	[tilespmem:s0+$0x130] =	vst v1  }
0x29: {  	[tilespmem:s0+$0x140] =	vst v1  }
0x2a: {  	[tilespmem:s0+$0x150] =	vst v1  }
0x2b: {  	[tilespmem:s0+$0x160] =	vst v1  }
0x2c: {  	[tilespmem:s0+$0x170] =	vst v1  }
0x2d: {  	[tilespmem:s0+$0x180] =	vst v1  }
0x2e: {  	[tilespmem:s0+$0x190] =	vst v1  }
.Ltmp0:
0x2f: {  	[tilespmem:s0+$0x1A0] =	vst v1;
	(pc) =	sbr.rel @p0 .LBB2_2-.Ltmp0, $4  }
0x30: {  	[tilespmem:s0+$0x1B0] =	vst v1  }
0x31: {  	[tilespmem:s0+$0x1C0] =	vst v1  }
0x32: {  	[tilespmem:s0+$0x1D0] =	vst v1  }
0x33: {  	[tilespmem:s0+$0x1E0] =	vst v1;
	s0 =	sshra.s32 s1, $0x2;
	s1 =	sadd.s32 $0x800, s1  }
0x34: {  	[tilespmem:s0+$0x1F0] =	vst v1  }
0x35: {  	[tilespmem:s0+$0x0] =	vst v1  }
0x36: {  	[tilespmem:s0+$0x10] =	vst v1  }
0x37: {  	[tilespmem:s0+$0x20] =	vst v1  }
0x38: {  	[tilespmem:s0+$0x30] =	vst v1  }
0x39: {  	[tilespmem:s0+$0x40] =	vst v1  }
0x3a: {  	[tilespmem:s0+$0x50] =	vst v1  }
0x3b: {  	[tilespmem:s0+$0x60] =	vst v1  }
0x3c: {  	[tilespmem:s0+$0x70] =	vst v1  }
0x3d: {  	[tilespmem:s0+$0x80] =	vst v1  }
0x3e: {  	[tilespmem:s0+$0x90] =	vst v1  }
0x3f: {  	[tilespmem:s0+$0xA0] =	vst v1  }
0x40: {  	[tilespmem:s0+$0xB0] =	vst v1  }
0x41: {  	[tilespmem:s0+$0xC0] =	vst v1  }
0x42: {  	[tilespmem:s0+$0xD0] =	vst v1  }
0x43: {  	[tilespmem:s0+$0xE0] =	vst v1  }
0x44: {  	[tilespmem:s0+$0xF0] =	vst v1  }
0x45: {  	[tilespmem:s0+$0x100] =	vst v1  }
0x46: {  	[tilespmem:s0+$0x110] =	vst v1  }
0x47: {  	[tilespmem:s0+$0x120] =	vst v1  }
0x48: {  	[tilespmem:s0+$0x130] =	vst v1  }
0x49: {  	[tilespmem:s0+$0x140] =	vst v1  }
0x4a: {  	[tilespmem:s0+$0x150] =	vst v1  }
0x4b: {  	[tilespmem:s0+$0x160] =	vst v1  }
0x4c: {  	[tilespmem:s0+$0x170] =	vst v1  }
0x4d: {  	[tilespmem:s0+$0x180] =	vst v1  }
0x4e: {  	[tilespmem:s0+$0x190] =	vst v1  }
0x4f: {  	[tilespmem:s0+$0x1A0] =	vst v1  }
0x50: {  	[tilespmem:s0+$0x1B0] =	vst v1  }
0x51: {  	[tilespmem:s0+$0x1C0] =	vst v1  }
0x52: {  	[tilespmem:s0+$0x1D0] =	vst v1  }
0x53: {  	[tilespmem:s0+$0x1E0] =	vst v1  }
0x54: {  	v10 =	vld [tilespmem:$0x1F400]  }
0x55: {  	v11 =	vld [tilespmem:$0x1F410]  }
0x56: {  	v12 =	vld [tilespmem:$0x1F420]  }
0x57: {  	v13 =	vld [tilespmem:$0x1F430]  }
0x58: {  	v14 =	vld [tilespmem:$0x1F440]  }
0x59: {  	v15 =	vld [tilespmem:$0x1F450];
	vm0 =	vlt.u32 v10, $0xF8;
	v10 =	vshll.u32 v10, $0x7  }
0x5a: {  	v16 =	vld [tilespmem:$0x1F460];
	vm1 =	vlt.u32 v11, $0xF8;
	v11 =	vshll.u32 v11, $0x7;
	v10 =	vor.u32 v0, v10  }
0x5b: {  	v17 =	vld [tilespmem:$0x1F470];
	vm2 =	vlt.u32 v12, $0xF8;
	v12 =	vshll.u32 v12, $0x7;
	v11 =	vor.u32 v3, v11  }
0x5c: {  	vm3 =	vlt.u32 v13, $0xF8;
	v13 =	vshll.u32 v13, $0x7;
	v12 =	vor.u32 v4, v12  }
0x5d: {  	vm4 =	vlt.u32 v14, $0xF8;
	v14 =	vshll.u32 v14, $0x7;
	v13 =	vor.u32 v5, v13  }
0x5e: {  	s1 =	simm.s32 $0x0;
	vm5 =	vlt.u32 v15, $0xF8;
	v15 =	vshll.u32 v15, $0x7;
	v14 =	vor.u32 v6, v14  }
0x5f: {  	vm14 =	vlt.u32 v16, $0xF8;
	v61 =	vshll.u32 v16, $0x7;
	[tilespmem:v10+s1+$0x0] =	vst.idx.msk vm0, v2;
	v10 =	vor.u32 v7, v15  }
0x60: {  	vm15 =	vlt.u32 v17, $0xF8;
	v62 =	vshll.u32 v17, $0x7;
	[tilespmem:v11+s1+$0x0] =	vst.idx.msk vm1, v2;
	v11 =	vor.u32 v8, v61  }
0x61: {  	v63 =	vor.u32 v9, v62;
	[tilespmem:v12+s1+$0x0] =	vst.idx.msk vm2, v2  }
0x62: {  	[tilespmem:v13+s1+$0x0] =	vst.idx.msk vm3, v2  }
0x63: {  	[tilespmem:v14+s1+$0x0] =	vst.idx.msk vm4, v2  }
0x64: {  	[tilespmem:v10+s1+$0x0] =	vst.idx.msk vm5, v2  }
0x65: {  	[tilespmem:v11+s1+$0x0] =	vst.idx.msk vm14, v2  }
0x66: {  	[tilespmem:v63+s1+$0x0] =	vst.idx.msk vm15, v2  }
0x67: {  	[hbm4b:s3+s22] =	stream.strided.scatter [tilespmem:s1], [sflag:$0x1], $0x7C00, s23, s22, $0x38;
	[tilespmem:$0x1F600] =	vst v63  }
0x68: {  	s0 =	simm.s32 $0x0;
	s1 =	simm.s32 $0x800  }
.LBB2_4:
0x69: {  	p0 =	sne.s32 s1, $0x1F800;
	[tilespmem:s0+$0x7DF0] =	vst v1  }
0x6a: {  	[tilespmem:s0+$0x7C00] =	vst v1  }
0x6b: {  	[tilespmem:s0+$0x7C10] =	vst v1  }
0x6c: {  	[tilespmem:s0+$0x7C20] =	vst v1  }
0x6d: {  	[tilespmem:s0+$0x7C30] =	vst v1  }
0x6e: {  	[tilespmem:s0+$0x7C40] =	vst v1  }
0x6f: {  	[tilespmem:s0+$0x7C50] =	vst v1  }
0x70: {  	[tilespmem:s0+$0x7C60] =	vst v1  }
0x71: {  	[tilespmem:s0+$0x7C70] =	vst v1  }
0x72: {  	[tilespmem:s0+$0x7C80] =	vst v1  }
0x73: {  	[tilespmem:s0+$0x7C90] =	vst v1  }
0x74: {  	[tilespmem:s0+$0x7CA0] =	vst v1  }
0x75: {  	[tilespmem:s0+$0x7CB0] =	vst v1  }
0x76: {  	[tilespmem:s0+$0x7CC0] =	vst v1  }
0x77: {  	[tilespmem:s0+$0x7CD0] =	vst v1  }
0x78: {  	[tilespmem:s0+$0x7CE0] =	vst v1  }
0x79: {  	[tilespmem:s0+$0x7CF0] =	vst v1  }
0x7a: {  	[tilespmem:s0+$0x7D00] =	vst v1  }
0x7b: {  	[tilespmem:s0+$0x7D10] =	vst v1  }
0x7c: {  	[tilespmem:s0+$0x7D20] =	vst v1  }
0x7d: {  	[tilespmem:s0+$0x7D30] =	vst v1  }
0x7e: {  	[tilespmem:s0+$0x7D40] =	vst v1  }
0x7f: {  	[tilespmem:s0+$0x7D50] =	vst v1  }
0x80: {  	[tilespmem:s0+$0x7D60] =	vst v1  }
0x81: {  	[tilespmem:s0+$0x7D70] =	vst v1  }
0x82: {  	[tilespmem:s0+$0x7D80] =	vst v1  }
0x83: {  	[tilespmem:s0+$0x7D90] =	vst v1  }
.Ltmp1:
0x84: {  	[tilespmem:s0+$0x7DA0] =	vst v1;
	(pc) =	sbr.rel @p0 .LBB2_4-.Ltmp1, $4  }
0x85: {  	[tilespmem:s0+$0x7DB0] =	vst v1  }
0x86: {  	[tilespmem:s0+$0x7DC0] =	vst v1  }
0x87: {  	[tilespmem:s0+$0x7DD0] =	vst v1  }
0x88: {  	[tilespmem:s0+$0x7DE0] =	vst v1;
	s0 =	sshra.s32 s1, $0x2;
	s1 =	sadd.s32 $0x800, s1  }
0x89: {  	[tilespmem:s0+$0x7DF0] =	vst v1  }
0x8a: {  	[tilespmem:s0+$0x7C00] =	vst v1  }
0x8b: {  	[tilespmem:s0+$0x7C10] =	vst v1  }
0x8c: {  	[tilespmem:s0+$0x7C20] =	vst v1  }
0x8d: {  	[tilespmem:s0+$0x7C30] =	vst v1  }
0x8e: {  	[tilespmem:s0+$0x7C40] =	vst v1  }
0x8f: {  	[tilespmem:s0+$0x7C50] =	vst v1  }
0x90: {  	[tilespmem:s0+$0x7C60] =	vst v1  }
0x91: {  	[tilespmem:s0+$0x7C70] =	vst v1  }
0x92: {  	[tilespmem:s0+$0x7C80] =	vst v1  }
0x93: {  	[tilespmem:s0+$0x7C90] =	vst v1  }
0x94: {  	[tilespmem:s0+$0x7CA0] =	vst v1  }
0x95: {  	[tilespmem:s0+$0x7CB0] =	vst v1  }
0x96: {  	[tilespmem:s0+$0x7CC0] =	vst v1  }
0x97: {  	[tilespmem:s0+$0x7CD0] =	vst v1  }
0x98: {  	[tilespmem:s0+$0x7CE0] =	vst v1  }
0x99: {  	[tilespmem:s0+$0x7CF0] =	vst v1  }
0x9a: {  	[tilespmem:s0+$0x7D00] =	vst v1  }
0x9b: {  	[tilespmem:s0+$0x7D10] =	vst v1  }
0x9c: {  	[tilespmem:s0+$0x7D20] =	vst v1  }
0x9d: {  	[tilespmem:s0+$0x7D30] =	vst v1  }
0x9e: {  	[tilespmem:s0+$0x7D40] =	vst v1  }
0x9f: {  	[tilespmem:s0+$0x7D50] =	vst v1  }
0xa0: {  	[tilespmem:s0+$0x7D60] =	vst v1  }
0xa1: {  	[tilespmem:s0+$0x7D70] =	vst v1  }
0xa2: {  	[tilespmem:s0+$0x7D80] =	vst v1  }
0xa3: {  	[tilespmem:s0+$0x7D90] =	vst v1  }
0xa4: {  	[tilespmem:s0+$0x7DA0] =	vst v1  }
0xa5: {  	[tilespmem:s0+$0x7DB0] =	vst v1  }
0xa6: {  	[tilespmem:s0+$0x7DC0] =	vst v1  }
0xa7: {  	[tilespmem:s0+$0x7DD0] =	vst v1  }
0xa8: {  	[tilespmem:s0+$0x7DE0] =	vst v1  }
0xa9: {  	v10 =	vld [tilespmem:$0x1F400]  }
0xaa: {  	v11 =	vld [tilespmem:$0x1F410]  }
0xab: {  	v12 =	vld [tilespmem:$0x1F420]  }
0xac: {  	v13 =	vld [tilespmem:$0x1F430]  }
0xad: {  	v14 =	vld [tilespmem:$0x1F440];
	_ =	sdelay $0x1  }
0xae: {  	v16 =	vld [tilespmem:$0x1F450];
	v15 =	vadd.s32 $0xFFFFFF08, v10  }
0xaf: {  	v10 =	vshll.u32 v10, $0x7;
	v57 =	vadd.s32 $0xFFFFFF08, v11;
	v11 =	vshll.u32 v11, $0x7  }
0xb0: {  	v58 =	vld [tilespmem:$0x1F460];
	v17 =	vadd.s32 $0xFFFFFF08, v12;
	v12 =	vshll.u32 v12, $0x7;
	v59 =	vadd.s32 $0xFFFFFF08, v13  }
0xb1: {  	v18 =	vld [tilespmem:$0x1F470];
	v13 =	vshll.u32 v13, $0x7;
	v60 =	vadd.s32 $0xFFFFFF08, v14;
	vm0 =	vlt.u32 v15, $0x100  }
0xb2: {  	v14 =	vshll.u32 v14, $0x7;
	v10 =	vor.u32 v0, v10;
	vm1 =	vlt.u32 v57, $0x100  }
0xb3: {  	v61 =	vadd.s32 $0xFFFFFF08, v16;
	v11 =	vor.u32 v3, v11;
	vm2 =	vlt.u32 v17, $0x100  }
0xb4: {  	v16 =	vshll.u32 v16, $0x7;
	v12 =	vor.u32 v4, v12;
	vm3 =	vlt.u32 v59, $0x100  }
0xb5: {  	v62 =	vadd.s32 $0xFFFFFF08, v58;
	v13 =	vor.u32 v5, v13;
	vm4 =	vlt.u32 v60, $0x100  }
0xb6: {  	s1 =	simm.s32 $0x0;
	v63 =	vadd.s32 $0xFFFFFF08, v18;
	v14 =	vor.u32 v6, v14;
	vm5 =	vlt.u32 v61, $0x100  }
0xb7: {  	v16 =	vor.u32 v7, v16;
	vm14 =	vlt.u32 v62, $0x100;
	[tilespmem:v10+s1+$0x0] =	vst.idx.msk vm0, v2;
	v10 =	vshll.u32 v58, $0x7  }
0xb8: {  	vm15 =	vlt.u32 v63, $0x100;
	[tilespmem:v11+s1+$0x0] =	vst.idx.msk vm1, v2;
	v10 =	vor.u32 v8, v10;
	v11 =	vshll.u32 v18, $0x7  }
0xb9: {  	[tilespmem:v12+s1+$0x0] =	vst.idx.msk vm2, v2;
	v11 =	vor.u32 v9, v11  }
0xba: {  	[tilespmem:v13+s1+$0x0] =	vst.idx.msk vm3, v2  }
0xbb: {  	[tilespmem:v14+s1+$0x0] =	vst.idx.msk vm4, v2  }
0xbc: {  	[tilespmem:v16+s1+$0x0] =	vst.idx.msk vm5, v2  }
0xbd: {  	[tilespmem:v10+s1+$0x0] =	vst.idx.msk vm14, v2  }
0xbe: {  	s0 =	simm.s32 $0x0;
	[tilespmem:v11+s1+$0x0] =	vst.idx.msk vm15, v2;
	s1 =	simm.s32 $0x800  }
0xbf: {  	[hbm4b:s5+s22] =	stream.strided.scatter [tilespmem:s24], [sflag:$0x2], $0x8000, s23, s22, $0x38;
	[tilespmem:$0x1F600] =	vst v63  }
.LBB2_6:
0xc0: {  	p0 =	sne.s32 s1, $0x3D800;
	[tilespmem:s0+$0xFDF0] =	vst v1  }
0xc1: {  	[tilespmem:s0+$0xFC00] =	vst v1  }
0xc2: {  	[tilespmem:s0+$0xFC10] =	vst v1  }
0xc3: {  	[tilespmem:s0+$0xFC20] =	vst v1  }
0xc4: {  	[tilespmem:s0+$0xFC30] =	vst v1  }
0xc5: {  	[tilespmem:s0+$0xFC40] =	vst v1  }
0xc6: {  	[tilespmem:s0+$0xFC50] =	vst v1  }
0xc7: {  	[tilespmem:s0+$0xFC60] =	vst v1  }
0xc8: {  	[tilespmem:s0+$0xFC70] =	vst v1  }
0xc9: {  	[tilespmem:s0+$0xFC80] =	vst v1  }
0xca: {  	[tilespmem:s0+$0xFC90] =	vst v1  }
0xcb: {  	[tilespmem:s0+$0xFCA0] =	vst v1  }
0xcc: {  	[tilespmem:s0+$0xFCB0] =	vst v1  }
0xcd: {  	[tilespmem:s0+$0xFCC0] =	vst v1  }
0xce: {  	[tilespmem:s0+$0xFCD0] =	vst v1  }
0xcf: {  	[tilespmem:s0+$0xFCE0] =	vst v1  }
0xd0: {  	[tilespmem:s0+$0xFCF0] =	vst v1  }
0xd1: {  	[tilespmem:s0+$0xFD00] =	vst v1  }
0xd2: {  	[tilespmem:s0+$0xFD10] =	vst v1  }
0xd3: {  	[tilespmem:s0+$0xFD20] =	vst v1  }
0xd4: {  	[tilespmem:s0+$0xFD30] =	vst v1  }
0xd5: {  	[tilespmem:s0+$0xFD40] =	vst v1  }
0xd6: {  	[tilespmem:s0+$0xFD50] =	vst v1  }
0xd7: {  	[tilespmem:s0+$0xFD60] =	vst v1  }
0xd8: {  	[tilespmem:s0+$0xFD70] =	vst v1  }
0xd9: {  	[tilespmem:s0+$0xFD80] =	vst v1  }
0xda: {  	[tilespmem:s0+$0xFD90] =	vst v1  }
.Ltmp2:
0xdb: {  	[tilespmem:s0+$0xFDA0] =	vst v1;
	(pc) =	sbr.rel @p0 .LBB2_6-.Ltmp2, $4  }
0xdc: {  	[tilespmem:s0+$0xFDB0] =	vst v1  }
0xdd: {  	[tilespmem:s0+$0xFDC0] =	vst v1  }
0xde: {  	[tilespmem:s0+$0xFDD0] =	vst v1  }
0xdf: {  	[tilespmem:s0+$0xFDE0] =	vst v1;
	s0 =	sshra.s32 s1, $0x2;
	s1 =	sadd.s32 $0x800, s1  }
0xe0: {  	[tilespmem:s0+$0xFDF0] =	vst v1  }
0xe1: {  	[tilespmem:s0+$0xFC00] =	vst v1  }
0xe2: {  	[tilespmem:s0+$0xFC10] =	vst v1  }
0xe3: {  	[tilespmem:s0+$0xFC20] =	vst v1  }
0xe4: {  	[tilespmem:s0+$0xFC30] =	vst v1  }
0xe5: {  	[tilespmem:s0+$0xFC40] =	vst v1  }
0xe6: {  	[tilespmem:s0+$0xFC50] =	vst v1  }
0xe7: {  	[tilespmem:s0+$0xFC60] =	vst v1  }
0xe8: {  	[tilespmem:s0+$0xFC70] =	vst v1  }
0xe9: {  	[tilespmem:s0+$0xFC80] =	vst v1  }
0xea: {  	[tilespmem:s0+$0xFC90] =	vst v1  }
0xeb: {  	[tilespmem:s0+$0xFCA0] =	vst v1  }
0xec: {  	[tilespmem:s0+$0xFCB0] =	vst v1  }
0xed: {  	[tilespmem:s0+$0xFCC0] =	vst v1  }
0xee: {  	[tilespmem:s0+$0xFCD0] =	vst v1  }
0xef: {  	[tilespmem:s0+$0xFCE0] =	vst v1  }
0xf0: {  	[tilespmem:s0+$0xFCF0] =	vst v1  }
0xf1: {  	[tilespmem:s0+$0xFD00] =	vst v1  }
0xf2: {  	[tilespmem:s0+$0xFD10] =	vst v1  }
0xf3: {  	[tilespmem:s0+$0xFD20] =	vst v1  }
0xf4: {  	[tilespmem:s0+$0xFD30] =	vst v1  }
0xf5: {  	[tilespmem:s0+$0xFD40] =	vst v1  }
0xf6: {  	[tilespmem:s0+$0xFD50] =	vst v1  }
0xf7: {  	[tilespmem:s0+$0xFD60] =	vst v1  }
0xf8: {  	[tilespmem:s0+$0xFD70] =	vst v1  }
0xf9: {  	[tilespmem:s0+$0xFD80] =	vst v1  }
0xfa: {  	[tilespmem:s0+$0xFD90] =	vst v1  }
0xfb: {  	[tilespmem:s0+$0xFDA0] =	vst v1  }
0xfc: {  	[tilespmem:s0+$0xFDB0] =	vst v1  }
0xfd: {  	[tilespmem:s0+$0xFDC0] =	vst v1  }
0xfe: {  	[tilespmem:s0+$0xFDD0] =	vst v1  }
0xff: {  	[tilespmem:s0+$0xFDE0] =	vst v1  }
0x100: {  	v10 =	vld [tilespmem:$0x1F400]  }
0x101: {  	v11 =	vld [tilespmem:$0x1F410]  }
0x102: {  	v12 =	vld [tilespmem:$0x1F420]  }
0x103: {  	v13 =	vld [tilespmem:$0x1F430]  }
0x104: {  	v14 =	vld [tilespmem:$0x1F440];
	_ =	sdelay $0x1  }
0x105: {  	v16 =	vld [tilespmem:$0x1F450];
	v15 =	vadd.s32 $0xFFFFFE08, v10  }
0x106: {  	v10 =	vshll.u32 v10, $0x7;
	v56 =	vadd.s32 $0xFFFFFE08, v11;
	v11 =	vshll.u32 v11, $0x7  }
0x107: {  	v57 =	vld [tilespmem:$0x1F460];
	v17 =	vadd.s32 $0xFFFFFE08, v12;
	v12 =	vshll.u32 v12, $0x7;
	v58 =	vadd.s32 $0xFFFFFE08, v13  }
0x108: {  	v18 =	vld [tilespmem:$0x1F470];
	v13 =	vshll.u32 v13, $0x7;
	v59 =	vadd.s32 $0xFFFFFE08, v14;
	vm0 =	vlt.u32 v15, $0x1F0  }
0x109: {  	v14 =	vshll.u32 v14, $0x7;
	v10 =	vor.u32 v0, v10;
	vm1 =	vlt.u32 v56, $0x1F0  }
0x10a: {  	v60 =	vadd.s32 $0xFFFFFE08, v16;
	v11 =	vor.u32 v3, v11;
	vm2 =	vlt.u32 v17, $0x1F0  }
0x10b: {  	v16 =	vshll.u32 v16, $0x7;
	v12 =	vor.u32 v4, v12;
	vm3 =	vlt.u32 v58, $0x1F0  }
0x10c: {  	v61 =	vadd.s32 $0xFFFFFE08, v57;
	v13 =	vor.u32 v5, v13;
	vm4 =	vlt.u32 v59, $0x1F0  }
0x10d: {  	v62 =	vadd.s32 $0xFFFFFE08, v18;
	v14 =	vor.u32 v6, v14;
	vm5 =	vlt.u32 v60, $0x1F0  }
0x10e: {  	v16 =	vor.u32 v7, v16;
	vm14 =	vlt.u32 v61, $0x1F0;
	[tilespmem:v10+s2+$0x0] =	vst.idx.msk vm0, v2;
	v10 =	vshll.u32 v57, $0x7  }
0x10f: {  	vm15 =	vlt.u32 v62, $0x1F0;
	[tilespmem:v11+s2+$0x0] =	vst.idx.msk vm1, v2;
	v10 =	vor.u32 v8, v10;
	v11 =	vshll.u32 v18, $0x7  }
0x110: {  	[tilespmem:v12+s2+$0x0] =	vst.idx.msk vm2, v2;
	v11 =	vor.u32 v9, v11  }
0x111: {  	[tilespmem:v13+s2+$0x0] =	vst.idx.msk vm3, v2  }
0x112: {  	[tilespmem:v14+s2+$0x0] =	vst.idx.msk vm4, v2  }
0x113: {  	[tilespmem:v16+s2+$0x0] =	vst.idx.msk vm5, v2  }
0x114: {  	[tilespmem:v10+s2+$0x0] =	vst.idx.msk vm14, v2  }
0x115: {  	[tilespmem:v11+s2+$0x0] =	vst.idx.msk vm15, v2  }
0x116: {  	[hbm4b:s6+s22] =	stream.strided.scatter [tilespmem:s25], [sflag:$0x3], $0xF800, s23, s22, $0x38;
	[tilespmem:$0x1F600] =	vst v63  }
0x117: {  	_ =	swait.ge [sflag:s26], $0x7C00  }
0x118: {  	[sflag:s26] =	ssyncset.done $0x0  }
0x119: {  	[sflag:s26] =	ssyncadd.s32 $0xFFFF8400  }
0x11a: {  	_ =	swait.ge [sflag:s28], $0x8000  }
0x11b: {  	[sflag:s28] =	ssyncset.done $0x0  }
0x11c: {  	[sflag:s28] =	ssyncadd.s32 $0xFFFF8000  }
0x11d: {  	_ =	swait.ge [sflag:s29], $0xF800  }
0x11e: {  	[sflag:s29] =	ssyncset.done $0x0  }
0x11f: {  	[sflag:s29] =	ssyncadd.s32 $0xFFFF0800  }
0x120: {  	v10 =	vld [tilespmem:$0x1F400]  }
0x121: {  	v11 =	vld [tilespmem:$0x1F410]  }
0x122: {  	v63 =	vld [tilespmem:$0x1F420]  }
0x123: {  	v20 =	vld [tilespmem:$0x1F430]  }
0x124: {  	v21 =	vld [tilespmem:$0x1F440]  }
0x125: {  	v22 =	vld [tilespmem:$0x1F450];
	v10 =	vshll.u32 v10, $0x7  }
0x126: {  	v23 =	vld [tilespmem:$0x1F460];
	v11 =	vshll.u32 v11, $0x7;
	v10 =	vor.u32 v0, v10  }
0x127: {  	v24 =	vld [tilespmem:$0x1F470];
	v12 =	vshll.u32 v63, $0x7;
	v11 =	vor.u32 v3, v11  }
0x128: {  	v13 =	vshll.u32 v20, $0x7;
	v12 =	vor.u32 v4, v12  }
0x129: {  	v14 =	vshll.u32 v21, $0x7;
	v13 =	vor.u32 v5, v13  }
0x12a: {  	v15 =	vshll.u32 v22, $0x7;
	v14 =	vor.u32 v6, v14  }
0x12b: {  	v25 =	vshll.u32 v23, $0x7;
	[tilespmem:v10+s2+$0x0] =	vst.idx.msk $0xffff, v1;
	v10 =	vor.u32 v7, v15  }
0x12c: {  	v26 =	vshll.u32 v24, $0x7;
	[tilespmem:v11+s2+$0x0] =	vst.idx.msk $0xffff, v1;
	v11 =	vor.u32 v8, v25  }
0x12d: {  	v27 =	vor.u32 v9, v26;
	[tilespmem:v12+s2+$0x0] =	vst.idx.msk $0xffff, v1  }
0x12e: {  	[tilespmem:v13+s2+$0x0] =	vst.idx.msk $0xffff, v1  }
0x12f: {  	[tilespmem:v14+s2+$0x0] =	vst.idx.msk $0xffff, v1  }
0x130: {  	[tilespmem:v10+s2+$0x0] =	vst.idx.msk $0xffff, v1  }
0x131: {  	[tilespmem:v11+s2+$0x0] =	vst.idx.msk $0xffff, v1  }
0x132: {  	[tilespmem:v27+s2+$0x0] =	vst.idx.msk $0xffff, v1  }
0x133: {  	v10 =	vld [tilespmem:$0x1F480]  }
0x134: {  	v11 =	vld [tilespmem:$0x1F490]  }
0x135: {  	v12 =	vld [tilespmem:$0x1F4A0]  }
0x136: {  	v13 =	vld [tilespmem:$0x1F4B0]  }
0x137: {  	v14 =	vld [tilespmem:$0x1F4C0]  }
0x138: {  	v28 =	vld [tilespmem:$0x1F4D0];
	v10 =	vshll.u32 v10, $0x7  }
0x139: {  	v29 =	vld [tilespmem:$0x1F4E0];
	v11 =	vshll.u32 v11, $0x7;
	v10 =	vor.u32 v0, v10  }
0x13a: {  	v30 =	vld [tilespmem:$0x1F4F0];
	v12 =	vshll.u32 v12, $0x7;
	v11 =	vor.u32 v3, v11  }
0x13b: {  	v13 =	vshll.u32 v13, $0x7;
	v12 =	vor.u32 v4, v12  }
0x13c: {  	v14 =	vshll.u32 v14, $0x7;
	v13 =	vor.u32 v5, v13  }
0x13d: {  	v15 =	vshll.u32 v28, $0x7;
	v14 =	vor.u32 v6, v14  }
0x13e: {  	v31 =	vshll.u32 v29, $0x7;
	[tilespmem:v10+s2+$0x0] =	vst.idx.msk $0xffff, v2;
	v10 =	vor.u32 v7, v15  }
0x13f: {  	v32 =	vshll.u32 v30, $0x7;
	[tilespmem:v11+s2+$0x0] =	vst.idx.msk $0xffff, v2;
	v11 =	vor.u32 v8, v31  }
0x140: {  	v33 =	vor.u32 v9, v32;
	[tilespmem:v12+s2+$0x0] =	vst.idx.msk $0xffff, v2  }
0x141: {  	[tilespmem:v13+s2+$0x0] =	vst.idx.msk $0xffff, v2  }
0x142: {  	[tilespmem:v14+s2+$0x0] =	vst.idx.msk $0xffff, v2  }
0x143: {  	[tilespmem:v10+s2+$0x0] =	vst.idx.msk $0xffff, v2  }
0x144: {  	[tilespmem:v11+s2+$0x0] =	vst.idx.msk $0xffff, v2  }
0x145: {  	[tilespmem:v33+s2+$0x0] =	vst.idx.msk $0xffff, v2  }
0x146: {  	[hbm4b:s7+s22] =	stream.strided.scatter [tilespmem:s2], [sflag:$0x1], $0x7C00, s23, s22, $0x38;
	[tilespmem:$0x1F600] =	vst v63  }
0x147: {  	_ = 	snop  }
0x148: {  	[hbm4b:s8+s22] =	stream.strided.scatter [tilespmem:s24], [sflag:$0x2], $0x8000, s23, s22, $0x38;
	[tilespmem:$0x1F600] =	vst v63  }
0x149: {  	_ = 	snop  }
0x14a: {  	[hbm4b:s9+s22] =	stream.strided.scatter [tilespmem:s25], [sflag:$0x3], $0x7C00, s23, s22, $0x38;
	[tilespmem:$0x1F600] =	vst v63  }
0x14b: {  	_ = 	snop  }
0x14c: {  	[hbm4b:s10+s22] =	stream.strided.scatter [tilespmem:s30], [sflag:$0x1], $0x7C00, s23, s22, $0x38;
	[tilespmem:$0x1F600] =	vst v63  }
0x14d: {  	_ =	swait.ge [sflag:s26], $0x7C00  }
0x14e: {  	[sflag:s26] =	ssyncset.done $0x0  }
0x14f: {  	[sflag:s26] =	ssyncadd.s32 $0xFFFF8400  }
0x150: {  	_ =	swait.ge [sflag:s28], $0x8000  }
0x151: {  	[sflag:s28] =	ssyncset.done $0x0  }
0x152: {  	[sflag:s28] =	ssyncadd.s32 $0xFFFF8000  }
0x153: {  	_ =	swait.ge [sflag:s29], $0x7C00  }
0x154: {  	[sflag:s29] =	ssyncset.done $0x0  }
0x155: {  	[sflag:s29] =	ssyncadd.s32 $0xFFFF8400  }
0x156: {  	_ =	swait.ge [sflag:s26], $0x7C00  }
0x157: {  	[sflag:s26] =	ssyncset.done $0x0  }
0x158: {  	[sflag:s26] =	ssyncadd.s32 $0xFFFF8400  }
0x159: {  	v10 =	vld [tilespmem:$0x1F480]  }
0x15a: {  	v11 =	vld [tilespmem:$0x1F490]  }
0x15b: {  	v34 =	vld [tilespmem:$0x1F4A0]  }
0x15c: {  	v35 =	vld [tilespmem:$0x1F4B0]  }
0x15d: {  	v36 =	vld [tilespmem:$0x1F4C0]  }
0x15e: {  	v37 =	vld [tilespmem:$0x1F4D0];
	v10 =	vshll.u32 v10, $0x7  }
0x15f: {  	v38 =	vld [tilespmem:$0x1F4E0];
	v11 =	vshll.u32 v11, $0x7;
	v10 =	vor.u32 v0, v10  }
0x160: {  	v39 =	vld [tilespmem:$0x1F4F0];
	v12 =	vshll.u32 v34, $0x7;
	v11 =	vor.u32 v3, v11  }
0x161: {  	v13 =	vshll.u32 v35, $0x7;
	v12 =	vor.u32 v4, v12  }
0x162: {  	v14 =	vshll.u32 v36, $0x7;
	v13 =	vor.u32 v5, v13  }
0x163: {  	v15 =	vshll.u32 v37, $0x7;
	v14 =	vor.u32 v6, v14  }
0x164: {  	v40 =	vshll.u32 v38, $0x7;
	[tilespmem:v10+s2+$0x0] =	vst.idx.msk $0xffff, v1;
	v10 =	vor.u32 v7, v15  }
0x165: {  	v41 =	vshll.u32 v39, $0x7;
	[tilespmem:v11+s2+$0x0] =	vst.idx.msk $0xffff, v1;
	v11 =	vor.u32 v8, v40  }
0x166: {  	v42 =	vor.u32 v9, v41;
	[tilespmem:v12+s2+$0x0] =	vst.idx.msk $0xffff, v1  }
0x167: {  	[tilespmem:v13+s2+$0x0] =	vst.idx.msk $0xffff, v1  }
0x168: {  	[tilespmem:v14+s2+$0x0] =	vst.idx.msk $0xffff, v1  }
0x169: {  	[tilespmem:v10+s2+$0x0] =	vst.idx.msk $0xffff, v1  }
0x16a: {  	[tilespmem:v11+s2+$0x0] =	vst.idx.msk $0xffff, v1  }
0x16b: {  	[tilespmem:v42+s2+$0x0] =	vst.idx.msk $0xffff, v1  }
0x16c: {  	v10 =	vld [tilespmem:$0x1F500]  }
0x16d: {  	v11 =	vld [tilespmem:$0x1F510]  }
0x16e: {  	v12 =	vld [tilespmem:$0x1F520]  }
0x16f: {  	v13 =	vld [tilespmem:$0x1F530]  }
0x170: {  	v14 =	vld [tilespmem:$0x1F540]  }
0x171: {  	v43 =	vld [tilespmem:$0x1F550];
	v10 =	vshll.u32 v10, $0x7  }
0x172: {  	v44 =	vld [tilespmem:$0x1F560];
	v11 =	vshll.u32 v11, $0x7;
	v10 =	vor.u32 v0, v10  }
0x173: {  	v45 =	vld [tilespmem:$0x1F570];
	v12 =	vshll.u32 v12, $0x7;
	v11 =	vor.u32 v3, v11  }
0x174: {  	v13 =	vshll.u32 v13, $0x7;
	v12 =	vor.u32 v4, v12  }
0x175: {  	v14 =	vshll.u32 v14, $0x7;
	v13 =	vor.u32 v5, v13  }
0x176: {  	v15 =	vshll.u32 v43, $0x7;
	v14 =	vor.u32 v6, v14  }
0x177: {  	v46 =	vshll.u32 v44, $0x7;
	[tilespmem:v10+s2+$0x0] =	vst.idx.msk $0xffff, v2;
	v10 =	vor.u32 v7, v15  }
0x178: {  	v47 =	vshll.u32 v45, $0x7;
	[tilespmem:v11+s2+$0x0] =	vst.idx.msk $0xffff, v2;
	v11 =	vor.u32 v8, v46  }
0x179: {  	v48 =	vor.u32 v9, v47;
	[tilespmem:v12+s2+$0x0] =	vst.idx.msk $0xffff, v2  }
0x17a: {  	[tilespmem:v13+s2+$0x0] =	vst.idx.msk $0xffff, v2  }
0x17b: {  	[tilespmem:v14+s2+$0x0] =	vst.idx.msk $0xffff, v2  }
0x17c: {  	[tilespmem:v10+s2+$0x0] =	vst.idx.msk $0xffff, v2  }
0x17d: {  	[tilespmem:v11+s2+$0x0] =	vst.idx.msk $0xffff, v2  }
0x17e: {  	[tilespmem:v48+s2+$0x0] =	vst.idx.msk $0xffff, v2  }
0x17f: {  	[hbm4b:s11+s22] =	stream.strided.scatter [tilespmem:s2], [sflag:$0x1], $0x7C00, s23, s22, $0x38;
	[tilespmem:$0x1F600] =	vst v63  }
0x180: {  	_ = 	snop  }
0x181: {  	[hbm4b:s12+s22] =	stream.strided.scatter [tilespmem:s24], [sflag:$0x2], $0x8000, s23, s22, $0x38;
	[tilespmem:$0x1F600] =	vst v63  }
0x182: {  	_ = 	snop  }
0x183: {  	[hbm4b:s13+s22] =	stream.strided.scatter [tilespmem:s25], [sflag:$0x3], $0x7C00, s23, s22, $0x38;
	[tilespmem:$0x1F600] =	vst v63  }
0x184: {  	_ = 	snop  }
0x185: {  	[hbm4b:s14+s22] =	stream.strided.scatter [tilespmem:s30], [sflag:$0x1], $0x7C00, s23, s22, $0x38;
	[tilespmem:$0x1F600] =	vst v63  }
0x186: {  	_ =	swait.ge [sflag:s26], $0x7C00  }
0x187: {  	[sflag:s26] =	ssyncset.done $0x0  }
0x188: {  	[sflag:s26] =	ssyncadd.s32 $0xFFFF8400  }
0x189: {  	_ =	swait.ge [sflag:s28], $0x8000  }
0x18a: {  	[sflag:s28] =	ssyncset.done $0x0  }
0x18b: {  	[sflag:s28] =	ssyncadd.s32 $0xFFFF8000  }
0x18c: {  	_ =	swait.ge [sflag:s29], $0x7C00  }
0x18d: {  	[sflag:s29] =	ssyncset.done $0x0  }
0x18e: {  	[sflag:s29] =	ssyncadd.s32 $0xFFFF8400  }
0x18f: {  	_ =	swait.ge [sflag:s26], $0x7C00  }
0x190: {  	[sflag:s26] =	ssyncset.done $0x0  }
0x191: {  	[sflag:s26] =	ssyncadd.s32 $0xFFFF8400  }
0x192: {  	v10 =	vld [tilespmem:$0x1F500]  }
0x193: {  	v11 =	vld [tilespmem:$0x1F510]  }
0x194: {  	v49 =	vld [tilespmem:$0x1F520]  }
0x195: {  	v50 =	vld [tilespmem:$0x1F530]  }
0x196: {  	v51 =	vld [tilespmem:$0x1F540]  }
0x197: {  	v52 =	vld [tilespmem:$0x1F550];
	v10 =	vshll.u32 v10, $0x7  }
0x198: {  	v53 =	vld [tilespmem:$0x1F560];
	v11 =	vshll.u32 v11, $0x7;
	v10 =	vor.u32 v0, v10  }
0x199: {  	v54 =	vld [tilespmem:$0x1F570];
	v12 =	vshll.u32 v49, $0x7;
	v11 =	vor.u32 v3, v11  }
0x19a: {  	v13 =	vshll.u32 v50, $0x7;
	v12 =	vor.u32 v4, v12  }
0x19b: {  	v14 =	vshll.u32 v51, $0x7;
	v13 =	vor.u32 v5, v13  }
0x19c: {  	v15 =	vshll.u32 v52, $0x7;
	v14 =	vor.u32 v6, v14  }
0x19d: {  	v55 =	vshll.u32 v53, $0x7;
	[tilespmem:v10+s2+$0x0] =	vst.idx.msk $0xffff, v1;
	v10 =	vor.u32 v7, v15  }
0x19e: {  	v56 =	vshll.u32 v54, $0x7;
	[tilespmem:v11+s2+$0x0] =	vst.idx.msk $0xffff, v1;
	v11 =	vor.u32 v8, v55  }
0x19f: {  	v57 =	vor.u32 v9, v56;
	[tilespmem:v12+s2+$0x0] =	vst.idx.msk $0xffff, v1  }
0x1a0: {  	[tilespmem:v13+s2+$0x0] =	vst.idx.msk $0xffff, v1  }
0x1a1: {  	[tilespmem:v14+s2+$0x0] =	vst.idx.msk $0xffff, v1  }
0x1a2: {  	[tilespmem:v10+s2+$0x0] =	vst.idx.msk $0xffff, v1  }
0x1a3: {  	[tilespmem:v11+s2+$0x0] =	vst.idx.msk $0xffff, v1  }
0x1a4: {  	[tilespmem:v57+s2+$0x0] =	vst.idx.msk $0xffff, v1  }
0x1a5: {  	v10 =	vld [tilespmem:$0x1F580]  }
0x1a6: {  	v11 =	vld [tilespmem:$0x1F590]  }
0x1a7: {  	v12 =	vld [tilespmem:$0x1F5A0]  }
0x1a8: {  	v13 =	vld [tilespmem:$0x1F5B0]  }
0x1a9: {  	v14 =	vld [tilespmem:$0x1F5C0]  }
0x1aa: {  	v58 =	vld [tilespmem:$0x1F5D0];
	v10 =	vshll.u32 v10, $0x7  }
0x1ab: {  	v59 =	vld [tilespmem:$0x1F5E0];
	v11 =	vshll.u32 v11, $0x7;
	v10 =	vor.u32 v0, v10  }
0x1ac: {  	v60 =	vld [tilespmem:$0x1F5F0];
	v12 =	vshll.u32 v12, $0x7;
	v11 =	vor.u32 v3, v11  }
0x1ad: {  	v13 =	vshll.u32 v13, $0x7;
	v12 =	vor.u32 v4, v12  }
0x1ae: {  	v14 =	vshll.u32 v14, $0x7;
	v13 =	vor.u32 v5, v13  }
0x1af: {  	v15 =	vshll.u32 v58, $0x7;
	v14 =	vor.u32 v6, v14  }
0x1b0: {  	v61 =	vshll.u32 v59, $0x7;
	[tilespmem:v10+s2+$0x0] =	vst.idx.msk $0xffff, v2;
	v10 =	vor.u32 v7, v15  }
0x1b1: {  	v62 =	vshll.u32 v60, $0x7;
	[tilespmem:v11+s2+$0x0] =	vst.idx.msk $0xffff, v2;
	v11 =	vor.u32 v8, v61  }
0x1b2: {  	v63 =	vor.u32 v9, v62;
	[tilespmem:v12+s2+$0x0] =	vst.idx.msk $0xffff, v2  }
0x1b3: {  	[tilespmem:v13+s2+$0x0] =	vst.idx.msk $0xffff, v2  }
0x1b4: {  	[tilespmem:v14+s2+$0x0] =	vst.idx.msk $0xffff, v2  }
0x1b5: {  	[tilespmem:v10+s2+$0x0] =	vst.idx.msk $0xffff, v2  }
0x1b6: {  	[tilespmem:v11+s2+$0x0] =	vst.idx.msk $0xffff, v2  }
0x1b7: {  	[tilespmem:v63+s2+$0x0] =	vst.idx.msk $0xffff, v2  }
0x1b8: {  	[hbm4b:s15+s22] =	stream.strided.scatter [tilespmem:s2], [sflag:$0x1], $0x7C00, s23, s22, $0x38;
	[tilespmem:$0x1F600] =	vst v63  }
0x1b9: {  	_ = 	snop  }
0x1ba: {  	[hbm4b:s16+s22] =	stream.strided.scatter [tilespmem:s24], [sflag:$0x2], $0x8000, s23, s22, $0x38;
	[tilespmem:$0x1F600] =	vst v63  }
0x1bb: {  	_ = 	snop  }
0x1bc: {  	[hbm4b:s17+s22] =	stream.strided.scatter [tilespmem:s25], [sflag:$0x3], $0x7C00, s23, s22, $0x38;
	[tilespmem:$0x1F600] =	vst v63  }
0x1bd: {  	_ = 	snop  }
0x1be: {  	[hbm4b:s18+s22] =	stream.strided.scatter [tilespmem:s30], [sflag:$0x1], $0x7C00, s23, s22, $0x38;
	[tilespmem:$0x1F600] =	vst v63  }
0x1bf: {  	_ =	swait.ge [sflag:s26], $0x7C00  }
0x1c0: {  	[sflag:s26] =	ssyncset.done $0x0  }
0x1c1: {  	[sflag:s26] =	ssyncadd.s32 $0xFFFF8400  }
0x1c2: {  	_ =	swait.ge [sflag:s28], $0x8000  }
0x1c3: {  	[sflag:s28] =	ssyncset.done $0x0  }
0x1c4: {  	s31 =	sadd.s32 $0x1, s31;
	[sflag:s28] =	ssyncadd.s32 $0xFFFF8000  }
0x1c5: {  	p0 =	sne.s32 s31, s19;
	_ =	swait.ge [sflag:s29], $0x7C00  }
.Ltmp3:
0x1c6: {  	[sflag:s29] =	ssyncset.done $0x0;
	(pc) =	sbr.rel @p0 .LBB2_1-.Ltmp3, $4  }
0x1c7: {  	[sflag:s29] =	ssyncadd.s32 $0xFFFF8400  }
0x1c8: {  	_ =	swait.ge [sflag:s26], $0x7C00  }
0x1c9: {  	[sflag:s26] =	ssyncset.done $0x0  }
0x1ca: {  	[sflag:s26] =	ssyncadd.s32 $0xFFFF8400  }
0x1cb: {  	_ =	sfence.sel $0x180000  }
0x1cc: {  	[bflag:$0x0] =	sbarrier.arrive $0xFFFF  }
0x1cd: {  	_ =	strace $0x90000047  }
0x1ce: {  	s0 =	stileid.u32;
	[bflag:$0x2] =	sbarrier.arrive $0xFFFF  }
0x1cf: {  	p0 =	sne.s32 s0, $0x0;
	s0 =	rddreg [dreg:$0x2]  }
0x1d0: {  	s0 =	sadd.s32 @!p0 $0x100000, s0  }
0x1d1: {  	[sflag:s0] =	ssyncadd.tile.s32 @!p0 $0x1;
	_ =	shalt  }
.Lfunc_end2:
_tile_overlayer_lowered:
.L_overlay_start_2:
0x1d2: {  	(tag) =	ssettag $0x2  }
0x1d3: {  	s0 =	rddreg [dreg:$0x0];
	s2 =	stileid.u32  }
0x1d4: {  	s1 =	rddreg [dreg:$0x1];
	p0 =	sne.s32 s2, $0x0  }
0x1d5: {  	s3 =	rddreg [dreg:$0x2];
	[bflag:$0x3] =	sbarrier.arrive $0xFFFF;
	s2 =	simm.s32 @!p0 $0x1C04  }
0x1d6: {  	[timem:s3], [sflag:s2] =	dma.local @!p0 [hbm:s0], s1  }
0x1d7: {  	s0 =	simm.s32 @!p0 $0x4  }
0x1d8: {  	_ =	swait.ge @!p0 [sflag:s0], s1  }
0x1d9: {  	s1 =	ssub.s32 @!p0 $0x0, s1;
	[sflag:s0] =	ssyncset.done @!p0 $0x0  }
0x1da: {  	[sflag:s0] =	ssyncadd.s32 @!p0 s1  }
0x1db: {  	[bflag:$0x3] =	sbarrier.arrive $0xFFFF  }
0x1dc: {  	_ =	shalt  }

</sc_bundles>
